<compile_context>
chip_gen: v7x
topology: tpu7x:2x2x1
jax: 0.10.2.dev20260603
libtpu: 0.0.44.dev20260713+nightly
codegen_flags: <defaults>
</compile_context>

<pallas_src>
import functools

import jax
import jax.numpy as jnp
from jax import lax
from jax.experimental import pallas as pl
from jax.experimental.pallas import tpu as pltpu
from jax.experimental.pallas import tpu_sc as plsc

TB = 4096
SB = 8192
_IDX_BITS = 9
_IDX_MASK = (1 << _IDX_BITS) - 1


def _round_bf16(x):
    u = lax.bitcast_convert_type(x, jnp.uint32)
    r = (u + jnp.uint32(0x7FFF) + ((u >> 16) & jnp.uint32(1))) \
        & jnp.uint32(0xFFFF0000)
    return lax.bitcast_convert_type(r, jnp.float32)


def _select_body(a_ref, b_ref, s_ref, out_ref, mn_ref, *, ns):
    j = pl.program_id(1)

    @pl.when(j == 0)
    def _():
        mn_ref[...] = jnp.full((TB, 128), jnp.inf, dtype=jnp.float32)

    dotn = lax.dot_general(a_ref[...], b_ref[...],
                           dimension_numbers=(((0,), (0,)), ((), ())),
                           preferred_element_type=jnp.float32)
    v = s_ref[0:1, :] + dotn
    mn = mn_ref[...]
    for k in range(SB // 128):
        vk = v[:, k * 128:(k + 1) * 128]
        u = lax.bitcast_convert_type(vk, jnp.int32)
        u = (u & jnp.int32(~_IDX_MASK)) | (j * (SB // 128) + k)
        mn = jnp.minimum(mn, lax.bitcast_convert_type(u, jnp.float32))
    mn_ref[...] = mn

    @pl.when(j == ns - 1)
    def _():
        mnv = mn_ref[...]
        rm = jnp.min(mnv, axis=1)
        lane_iota = lax.broadcasted_iota(jnp.int32, (TB, 128), 1)
        lane = jnp.min(jnp.where(mnv == rm[:, None], lane_iota, 1 << 20),
                       axis=1)
        jk = lax.bitcast_convert_type(rm, jnp.int32) & _IDX_MASK
        out_ref[...] = (jk * 128 + lane).reshape(TB, 1)


def _reduce_body(g_ref, t_ref, out_ref, sum_ref, *, ng):
    i = pl.program_id(0)

    @pl.when(i == 0)
    def _():
        sum_ref[0] = 0.0

    dx = g_ref[:, 0:1] - t_ref[:, 0:1]
    dy = g_ref[:, 1:2] - t_ref[:, 1:2]
    dz = g_ref[:, 2:3] - t_ref[:, 2:3]
    d2 = dx * dx + dy * dy + dz * dz
    sum_ref[0] += jnp.sum(d2)

    @pl.when(i == ng - 1)
    def _():
        out_ref[...] = jnp.full((1, 1), sum_ref[0], jnp.float32)


def _make_sc_gather(v, d, b):
    info = plsc.get_sparse_core_info()
    nw = info.num_cores * info.num_subcores
    b_per_w = b // nw
    chunk = 512
    mesh = plsc.VectorSubcoreMesh(core_axis_name="c", subcore_axis_name="s")

    @functools.partial(
        pl.kernel, mesh=mesh,
        out_type=jax.ShapeDtypeStruct((b, d), jnp.float32),
        scratch_types=[
            pltpu.VMEM((chunk,), jnp.int32),
            pltpu.VMEM((chunk, d), jnp.float32),
            pltpu.SemaphoreType.DMA,
        ],
    )
    def k(table_hbm, idx_hbm, out_hbm, idx_v, rows_v, sem):
        wid = lax.axis_index("s") * info.num_cores + lax.axis_index("c")
        base = wid * b_per_w
        for c in range(b_per_w // chunk):
            off = base + c * chunk
            pltpu.sync_copy(idx_hbm.at[pl.ds(off, chunk)], idx_v)
            pltpu.async_copy(table_hbm.at[idx_v], rows_v, sem).wait()
            pltpu.sync_copy(rows_v, out_hbm.at[pl.ds(off, chunk)])

    return k


def kernel(src_V, tar_V):
    src_V = src_V.astype(jnp.float32)
    tar_V = tar_V.astype(jnp.float32)
    n = tar_V.shape[0]
    m = src_V.shape[0]

    tar_b = _round_bf16(tar_V)
    src_b = _round_bf16(src_V)
    src_sq = jnp.sum(src_V * src_V, axis=1, keepdims=True)

    a = jnp.concatenate(
        [tar_b, jnp.zeros((n, 13), jnp.float32)], axis=1).T.astype(jnp.bfloat16)
    bmat = jnp.concatenate(
        [-2.0 * src_b, jnp.zeros((m, 13), jnp.float32)],
        axis=1).T.astype(jnp.bfloat16)
    s = jnp.concatenate([src_sq, jnp.zeros((m, 7), jnp.float32)], axis=1).T

    nt = n // TB
    ns = m // SB

    ii = pl.pallas_call(
        functools.partial(_select_body, ns=ns),
        grid=(nt, ns),
        in_specs=[
            pl.BlockSpec((16, TB), lambda i, j: (0, i)),
            pl.BlockSpec((16, SB), lambda i, j: (0, j)),
            pl.BlockSpec((8, SB), lambda i, j: (0, j)),
        ],
        out_specs=pl.BlockSpec((TB, 1), lambda i, j: (i, 0)),
        out_shape=jax.ShapeDtypeStruct((n, 1), jnp.int32),
        scratch_shapes=[pltpu.VMEM((TB, 128), jnp.float32)],
        compiler_params=pltpu.CompilerParams(
            dimension_semantics=("parallel", "arbitrary")),
    )(a, bmat, s)

    table = jnp.concatenate([src_V, jnp.zeros((m, 125), jnp.float32)], axis=1)
    gathered = _make_sc_gather(m, 128, n)(table, ii.reshape(n))

    ng = 16
    res = pl.pallas_call(
        functools.partial(_reduce_body, ng=ng),
        grid=(ng,),
        in_specs=[
            pl.BlockSpec((n // ng, 128), lambda i: (i, 0)),
            pl.BlockSpec((n // ng, 3), lambda i: (i, 0)),
        ],
        out_specs=pl.BlockSpec((1, 1), lambda i: (0, 0)),
        out_shape=jax.ShapeDtypeStruct((1, 1), jnp.float32),
        scratch_shapes=[pltpu.SMEM((1,), jnp.float32)],
        compiler_params=pltpu.CompilerParams(
            dimension_semantics=("arbitrary",)),
    )(gathered, tar_V)
    return 0.5 * res[0, 0]

# --- scband reference (transcript-rebuilt; emitter-appended) ---
"""Pipeline reference for scband-reverse-loss-layer-82420422410466 (READ-ONLY COPY).

The authoritative reference and input builder live on the scoring server;
editing this copy changes nothing except your own understanding.
"""

import jax, jax.numpy as jnp
import numpy as np

CHUNK = 1024

def _nn_indices(src, tar):
    # Brute-force 1-NN (replaces cKDTree.query(k=1)) computed in query chunks
    # to bound peak memory of the pairwise distance matrix.
    src_sq = jnp.sum(src * src, axis=1)
    d = tar.shape[1]

    def body(q):
        # q: [CHUNK, d]; squared euclidean distances to all src points
        d2 = jnp.sum(q * q, axis=1)[:, None] - 2.0 * (q @ src.T) + src_sq[None, :]
        return jnp.argmin(d2, axis=1)

    tar_c = tar.reshape(-1, CHUNK, d)
    ii = jax.lax.map(body, tar_c)
    return ii.reshape(-1)


def setup_inputs(seed: int = 0) -> dict:
    key = jax.random.key(seed)
    k1, k2 = jax.random.split(key)
    src_V = jax.random.normal(k1, (65536, 3), dtype=jnp.float32)
    tar_V = jax.random.normal(k2, (65536, 3), dtype=jnp.float32)
    return {"src_V": src_V, "tar_V": tar_V}


def reference(src_V, tar_V):
    # ReverseLossLayer.forward: for each target vertex, find nearest source
    # vertex (1-NN), gather it, and compute 0.5 * sum of squared residuals.
    ii = _nn_indices(src_V, tar_V)
    src_V_c = jnp.take(src_V, ii, axis=0)
    diff = src_V_c - tar_V
    loss = 0.5 * jnp.sum(diff * diff)
    return loss

if __name__ == "__main__":
    import jax
    _d = setup_inputs()
    print(jax.jit(kernel)(*tuple(_d.values())))

</pallas_src>

<mosaic_0001>
#map = affine_map<(d0, d1) -> (0, 0)>
#map1 = affine_map<(d0, d1) -> (0)>
module attributes {stable_mosaic.version = 14 : i64} {
  func.func @k(%arg0: i32, %arg1: i32, %arg2: memref<65536x128xf32, #tpu.memory_space<hbm>>, %arg3: memref<65536xi32, #tpu.memory_space<hbm>>, %arg4: memref<65536x128xf32, #tpu.memory_space<hbm>>, %arg5: memref<512xi32, #tpu.memory_space<vmem>>, %arg6: memref<512x128xf32, #tpu.memory_space<vmem>>, %arg7: memref<!tpu.dma_semaphore, #tpu.memory_space<semaphore_mem>>) attributes {dimension_semantics = [#tpu.dimension_semantics<core_parallel>, #tpu.dimension_semantics<subcore_parallel>], iteration_bounds = array<i64: 2, 16>, scalar_prefetch = 0 : i64, scratch_operands = 3 : i64, tpu.core_type = #tpu.core_type<sc_vector_subcore>, window_params = [{transform_indices = #map}, {transform_indices = #map1}, {transform_indices = #map}]} {
    %mul3A = arith.constant 2 : i32
    %mul3A_0 = arith.muli %arg1, %mul3A : i32
    %add3A = arith.addi %mul3A_0, %arg0 : i32
    %mul3A_1 = arith.constant 2048 : i32
    %mul3A_2 = arith.muli %add3A, %mul3A_1 : i32
    %add3A_3 = arith.constant 0 : i32
    %add3A_4 = arith.addi %mul3A_2, %add3A_3 : i32
    "tpu.region"() ({
      %run_scoped3A = tpu.sem_alloc : memref<!tpu.dma_semaphore, #tpu.memory_space<semaphore_mem>>
      %dma_start3A_33 = tpu.memref_slice %arg3[%add3A_4] : memref<65536xi32, #tpu.memory_space<hbm>> -> memref<512xi32, #tpu.memory_space<hbm>>
      %dma_start3A_34 = tpu.memref_slice %arg3[%add3A_4] : memref<65536xi32, #tpu.memory_space<hbm>> -> memref<512xi32, #tpu.memory_space<hbm>>
      tpu.enqueue_dma source(%dma_start3A_34 : memref<512xi32, #tpu.memory_space<hbm>>) target(%arg5 : memref<512xi32, #tpu.memory_space<vmem>>) target_semaphore(%run_scoped3A : memref<!tpu.dma_semaphore, #tpu.memory_space<semaphore_mem>>)
      %dma_wait3A_35 = tpu.memref_slice %arg3[%add3A_4] : memref<65536xi32, #tpu.memory_space<hbm>> -> memref<512xi32, #tpu.memory_space<hbm>>
      %dma_wait3A_36 = tpu.memref_slice %arg3[%add3A_4] : memref<65536xi32, #tpu.memory_space<hbm>> -> memref<512xi32, #tpu.memory_space<hbm>>
      tpu.wait_dma2 semaphore(%run_scoped3A : memref<!tpu.dma_semaphore, #tpu.memory_space<semaphore_mem>>) src(%dma_wait3A_36 : memref<512xi32, #tpu.memory_space<hbm>>) dst(%arg5 : memref<512xi32, #tpu.memory_space<vmem>>)
      tpu.yield
    }) : () -> ()
    %dma_start3A = arith.constant 0 : i32
    %dma_start3A_5 = arith.constant 0 : i32
    %dma_start3A_6 = tpu.memref_slice %arg2[%dma_start3A, %dma_start3A_5] : memref<65536x128xf32, #tpu.memory_space<hbm>> -> memref<65536x128xf32, #tpu.memory_space<hbm>>
    tpu.enqueue_indirect_dma source(%dma_start3A_6 : memref<65536x128xf32, #tpu.memory_space<hbm>>) target(%arg6 : memref<512x128xf32, #tpu.memory_space<vmem>>) offsets(%arg5 : memref<512xi32, #tpu.memory_space<vmem>>) semaphore(%arg7 : memref<!tpu.dma_semaphore, #tpu.memory_space<semaphore_mem>>)
    %dma_wait3A = arith.constant 0 : i32
    %dma_wait3A_7 = arith.constant 0 : i32
    %dma_wait3A_8 = tpu.memref_slice %arg2[%dma_wait3A, %dma_wait3A_7] : memref<65536x128xf32, #tpu.memory_space<hbm>> -> memref<65536x128xf32, #tpu.memory_space<hbm>>
    tpu.wait_indirect_dma semaphore(%arg7 : memref<!tpu.dma_semaphore, #tpu.memory_space<semaphore_mem>>) src(%dma_wait3A_8 : memref<65536x128xf32, #tpu.memory_space<hbm>>) dst(%arg6 : memref<512x128xf32, #tpu.memory_space<vmem>>)
    "tpu.region"() ({
      %run_scoped3A = tpu.sem_alloc : memref<!tpu.dma_semaphore, #tpu.memory_space<semaphore_mem>>
      %dma_start3A_33 = arith.constant 0 : i32
      %dma_start3A_34 = tpu.memref_slice %arg4[%add3A_4, %dma_start3A_33] : memref<65536x128xf32, #tpu.memory_space<hbm>> -> memref<512x128xf32, #tpu.memory_space<hbm>>
      %dma_start3A_35 = arith.constant 0 : i32
      %dma_start3A_36 = tpu.memref_slice %arg4[%add3A_4, %dma_start3A_35] : memref<65536x128xf32, #tpu.memory_space<hbm>> -> memref<512x128xf32, #tpu.memory_space<hbm>>
      tpu.enqueue_dma source(%arg6 : memref<512x128xf32, #tpu.memory_space<vmem>>) target(%dma_start3A_36 : memref<512x128xf32, #tpu.memory_space<hbm>>) target_semaphore(%run_scoped3A : memref<!tpu.dma_semaphore, #tpu.memory_space<semaphore_mem>>)
      %dma_wait3A_37 = arith.constant 0 : i32
      %dma_wait3A_38 = tpu.memref_slice %arg4[%add3A_4, %dma_wait3A_37] : memref<65536x128xf32, #tpu.memory_space<hbm>> -> memref<512x128xf32, #tpu.memory_space<hbm>>
      %dma_wait3A_39 = arith.constant 0 : i32
      %dma_wait3A_40 = tpu.memref_slice %arg4[%add3A_4, %dma_wait3A_39] : memref<65536x128xf32, #tpu.memory_space<hbm>> -> memref<512x128xf32, #tpu.memory_space<hbm>>
      tpu.wait_dma2 semaphore(%run_scoped3A : memref<!tpu.dma_semaphore, #tpu.memory_space<semaphore_mem>>) src(%arg6 : memref<512x128xf32, #tpu.memory_space<vmem>>) dst(%dma_wait3A_40 : memref<512x128xf32, #tpu.memory_space<hbm>>)
      tpu.yield
    }) : () -> ()
    %add3A_9 = arith.constant 512 : i32
    %add3A_10 = arith.addi %mul3A_2, %add3A_9 : i32
    "tpu.region"() ({
      %run_scoped3A = tpu.sem_alloc : memref<!tpu.dma_semaphore, #tpu.memory_space<semaphore_mem>>
      %dma_start3A_33 = tpu.memref_slice %arg3[%add3A_10] : memref<65536xi32, #tpu.memory_space<hbm>> -> memref<512xi32, #tpu.memory_space<hbm>>
      %dma_start3A_34 = tpu.memref_slice %arg3[%add3A_10] : memref<65536xi32, #tpu.memory_space<hbm>> -> memref<512xi32, #tpu.memory_space<hbm>>
      tpu.enqueue_dma source(%dma_start3A_34 : memref<512xi32, #tpu.memory_space<hbm>>) target(%arg5 : memref<512xi32, #tpu.memory_space<vmem>>) target_semaphore(%run_scoped3A : memref<!tpu.dma_semaphore, #tpu.memory_space<semaphore_mem>>)
      %dma_wait3A_35 = tpu.memref_slice %arg3[%add3A_10] : memref<65536xi32, #tpu.memory_space<hbm>> -> memref<512xi32, #tpu.memory_space<hbm>>
      %dma_wait3A_36 = tpu.memref_slice %arg3[%add3A_10] : memref<65536xi32, #tpu.memory_space<hbm>> -> memref<512xi32, #tpu.memory_space<hbm>>
      tpu.wait_dma2 semaphore(%run_scoped3A : memref<!tpu.dma_semaphore, #tpu.memory_space<semaphore_mem>>) src(%dma_wait3A_36 : memref<512xi32, #tpu.memory_space<hbm>>) dst(%arg5 : memref<512xi32, #tpu.memory_space<vmem>>)
      tpu.yield
    }) : () -> ()
    %dma_start3A_11 = arith.constant 0 : i32
    %dma_start3A_12 = arith.constant 0 : i32
    %dma_start3A_13 = tpu.memref_slice %arg2[%dma_start3A_11, %dma_start3A_12] : memref<65536x128xf32, #tpu.memory_space<hbm>> -> memref<65536x128xf32, #tpu.memory_space<hbm>>
    tpu.enqueue_indirect_dma source(%dma_start3A_13 : memref<65536x128xf32, #tpu.memory_space<hbm>>) target(%arg6 : memref<512x128xf32, #tpu.memory_space<vmem>>) offsets(%arg5 : memref<512xi32, #tpu.memory_space<vmem>>) semaphore(%arg7 : memref<!tpu.dma_semaphore, #tpu.memory_space<semaphore_mem>>)
    %dma_wait3A_14 = arith.constant 0 : i32
    %dma_wait3A_15 = arith.constant 0 : i32
    %dma_wait3A_16 = tpu.memref_slice %arg2[%dma_wait3A_14, %dma_wait3A_15] : memref<65536x128xf32, #tpu.memory_space<hbm>> -> memref<65536x128xf32, #tpu.memory_space<hbm>>
    tpu.wait_indirect_dma semaphore(%arg7 : memref<!tpu.dma_semaphore, #tpu.memory_space<semaphore_mem>>) src(%dma_wait3A_16 : memref<65536x128xf32, #tpu.memory_space<hbm>>) dst(%arg6 : memref<512x128xf32, #tpu.memory_space<vmem>>)
    "tpu.region"() ({
      %run_scoped3A = tpu.sem_alloc : memref<!tpu.dma_semaphore, #tpu.memory_space<semaphore_mem>>
      %dma_start3A_33 = arith.constant 0 : i32
      %dma_start3A_34 = tpu.memref_slice %arg4[%add3A_10, %dma_start3A_33] : memref<65536x128xf32, #tpu.memory_space<hbm>> -> memref<512x128xf32, #tpu.memory_space<hbm>>
      %dma_start3A_35 = arith.constant 0 : i32
      %dma_start3A_36 = tpu.memref_slice %arg4[%add3A_10, %dma_start3A_35] : memref<65536x128xf32, #tpu.memory_space<hbm>> -> memref<512x128xf32, #tpu.memory_space<hbm>>
      tpu.enqueue_dma source(%arg6 : memref<512x128xf32, #tpu.memory_space<vmem>>) target(%dma_start3A_36 : memref<512x128xf32, #tpu.memory_space<hbm>>) target_semaphore(%run_scoped3A : memref<!tpu.dma_semaphore, #tpu.memory_space<semaphore_mem>>)
      %dma_wait3A_37 = arith.constant 0 : i32
      %dma_wait3A_38 = tpu.memref_slice %arg4[%add3A_10, %dma_wait3A_37] : memref<65536x128xf32, #tpu.memory_space<hbm>> -> memref<512x128xf32, #tpu.memory_space<hbm>>
      %dma_wait3A_39 = arith.constant 0 : i32
      %dma_wait3A_40 = tpu.memref_slice %arg4[%add3A_10, %dma_wait3A_39] : memref<65536x128xf32, #tpu.memory_space<hbm>> -> memref<512x128xf32, #tpu.memory_space<hbm>>
      tpu.wait_dma2 semaphore(%run_scoped3A : memref<!tpu.dma_semaphore, #tpu.memory_space<semaphore_mem>>) src(%arg6 : memref<512x128xf32, #tpu.memory_space<vmem>>) dst(%dma_wait3A_40 : memref<512x128xf32, #tpu.memory_space<hbm>>)
      tpu.yield
    }) : () -> ()
    %add3A_17 = arith.constant 1024 : i32
    %add3A_18 = arith.addi %mul3A_2, %add3A_17 : i32
    "tpu.region"() ({
      %run_scoped3A = tpu.sem_alloc : memref<!tpu.dma_semaphore, #tpu.memory_space<semaphore_mem>>
      %dma_start3A_33 = tpu.memref_slice %arg3[%add3A_18] : memref<65536xi32, #tpu.memory_space<hbm>> -> memref<512xi32, #tpu.memory_space<hbm>>
      %dma_start3A_34 = tpu.memref_slice %arg3[%add3A_18] : memref<65536xi32, #tpu.memory_space<hbm>> -> memref<512xi32, #tpu.memory_space<hbm>>
      tpu.enqueue_dma source(%dma_start3A_34 : memref<512xi32, #tpu.memory_space<hbm>>) target(%arg5 : memref<512xi32, #tpu.memory_space<vmem>>) target_semaphore(%run_scoped3A : memref<!tpu.dma_semaphore, #tpu.memory_space<semaphore_mem>>)
      %dma_wait3A_35 = tpu.memref_slice %arg3[%add3A_18] : memref<65536xi32, #tpu.memory_space<hbm>> -> memref<512xi32, #tpu.memory_space<hbm>>
      %dma_wait3A_36 = tpu.memref_slice %arg3[%add3A_18] : memref<65536xi32, #tpu.memory_space<hbm>> -> memref<512xi32, #tpu.memory_space<hbm>>
      tpu.wait_dma2 semaphore(%run_scoped3A : memref<!tpu.dma_semaphore, #tpu.memory_space<semaphore_mem>>) src(%dma_wait3A_36 : memref<512xi32, #tpu.memory_space<hbm>>) dst(%arg5 : memref<512xi32, #tpu.memory_space<vmem>>)
      tpu.yield
    }) : () -> ()
    %dma_start3A_19 = arith.constant 0 : i32
    %dma_start3A_20 = arith.constant 0 : i32
    %dma_start3A_21 = tpu.memref_slice %arg2[%dma_start3A_19, %dma_start3A_20] : memref<65536x128xf32, #tpu.memory_space<hbm>> -> memref<65536x128xf32, #tpu.memory_space<hbm>>
    tpu.enqueue_indirect_dma source(%dma_start3A_21 : memref<65536x128xf32, #tpu.memory_space<hbm>>) target(%arg6 : memref<512x128xf32, #tpu.memory_space<vmem>>) offsets(%arg5 : memref<512xi32, #tpu.memory_space<vmem>>) semaphore(%arg7 : memref<!tpu.dma_semaphore, #tpu.memory_space<semaphore_mem>>)
    %dma_wait3A_22 = arith.constant 0 : i32
    %dma_wait3A_23 = arith.constant 0 : i32
    %dma_wait3A_24 = tpu.memref_slice %arg2[%dma_wait3A_22, %dma_wait3A_23] : memref<65536x128xf32, #tpu.memory_space<hbm>> -> memref<65536x128xf32, #tpu.memory_space<hbm>>
    tpu.wait_indirect_dma semaphore(%arg7 : memref<!tpu.dma_semaphore, #tpu.memory_space<semaphore_mem>>) src(%dma_wait3A_24 : memref<65536x128xf32, #tpu.memory_space<hbm>>) dst(%arg6 : memref<512x128xf32, #tpu.memory_space<vmem>>)
    "tpu.region"() ({
      %run_scoped3A = tpu.sem_alloc : memref<!tpu.dma_semaphore, #tpu.memory_space<semaphore_mem>>
      %dma_start3A_33 = arith.constant 0 : i32
      %dma_start3A_34 = tpu.memref_slice %arg4[%add3A_18, %dma_start3A_33] : memref<65536x128xf32, #tpu.memory_space<hbm>> -> memref<512x128xf32, #tpu.memory_space<hbm>>
      %dma_start3A_35 = arith.constant 0 : i32
      %dma_start3A_36 = tpu.memref_slice %arg4[%add3A_18, %dma_start3A_35] : memref<65536x128xf32, #tpu.memory_space<hbm>> -> memref<512x128xf32, #tpu.memory_space<hbm>>
      tpu.enqueue_dma source(%arg6 : memref<512x128xf32, #tpu.memory_space<vmem>>) target(%dma_start3A_36 : memref<512x128xf32, #tpu.memory_space<hbm>>) target_semaphore(%run_scoped3A : memref<!tpu.dma_semaphore, #tpu.memory_space<semaphore_mem>>)
      %dma_wait3A_37 = arith.constant 0 : i32
      %dma_wait3A_38 = tpu.memref_slice %arg4[%add3A_18, %dma_wait3A_37] : memref<65536x128xf32, #tpu.memory_space<hbm>> -> memref<512x128xf32, #tpu.memory_space<hbm>>
      %dma_wait3A_39 = arith.constant 0 : i32
      %dma_wait3A_40 = tpu.memref_slice %arg4[%add3A_18, %dma_wait3A_39] : memref<65536x128xf32, #tpu.memory_space<hbm>> -> memref<512x128xf32, #tpu.memory_space<hbm>>
      tpu.wait_dma2 semaphore(%run_scoped3A : memref<!tpu.dma_semaphore, #tpu.memory_space<semaphore_mem>>) src(%arg6 : memref<512x128xf32, #tpu.memory_space<vmem>>) dst(%dma_wait3A_40 : memref<512x128xf32, #tpu.memory_space<hbm>>)
      tpu.yield
    }) : () -> ()
    %add3A_25 = arith.constant 1536 : i32
    %add3A_26 = arith.addi %mul3A_2, %add3A_25 : i32
    "tpu.region"() ({
      %run_scoped3A = tpu.sem_alloc : memref<!tpu.dma_semaphore, #tpu.memory_space<semaphore_mem>>
      %dma_start3A_33 = tpu.memref_slice %arg3[%add3A_26] : memref<65536xi32, #tpu.memory_space<hbm>> -> memref<512xi32, #tpu.memory_space<hbm>>
      %dma_start3A_34 = tpu.memref_slice %arg3[%add3A_26] : memref<65536xi32, #tpu.memory_space<hbm>> -> memref<512xi32, #tpu.memory_space<hbm>>
      tpu.enqueue_dma source(%dma_start3A_34 : memref<512xi32, #tpu.memory_space<hbm>>) target(%arg5 : memref<512xi32, #tpu.memory_space<vmem>>) target_semaphore(%run_scoped3A : memref<!tpu.dma_semaphore, #tpu.memory_space<semaphore_mem>>)
      %dma_wait3A_35 = tpu.memref_slice %arg3[%add3A_26] : memref<65536xi32, #tpu.memory_space<hbm>> -> memref<512xi32, #tpu.memory_space<hbm>>
      %dma_wait3A_36 = tpu.memref_slice %arg3[%add3A_26] : memref<65536xi32, #tpu.memory_space<hbm>> -> memref<512xi32, #tpu.memory_space<hbm>>
      tpu.wait_dma2 semaphore(%run_scoped3A : memref<!tpu.dma_semaphore, #tpu.memory_space<semaphore_mem>>) src(%dma_wait3A_36 : memref<512xi32, #tpu.memory_space<hbm>>) dst(%arg5 : memref<512xi32, #tpu.memory_space<vmem>>)
      tpu.yield
    }) : () -> ()
    %dma_start3A_27 = arith.constant 0 : i32
    %dma_start3A_28 = arith.constant 0 : i32
    %dma_start3A_29 = tpu.memref_slice %arg2[%dma_start3A_27, %dma_start3A_28] : memref<65536x128xf32, #tpu.memory_space<hbm>> -> memref<65536x128xf32, #tpu.memory_space<hbm>>
    tpu.enqueue_indirect_dma source(%dma_start3A_29 : memref<65536x128xf32, #tpu.memory_space<hbm>>) target(%arg6 : memref<512x128xf32, #tpu.memory_space<vmem>>) offsets(%arg5 : memref<512xi32, #tpu.memory_space<vmem>>) semaphore(%arg7 : memref<!tpu.dma_semaphore, #tpu.memory_space<semaphore_mem>>)
    %dma_wait3A_30 = arith.constant 0 : i32
    %dma_wait3A_31 = arith.constant 0 : i32
    %dma_wait3A_32 = tpu.memref_slice %arg2[%dma_wait3A_30, %dma_wait3A_31] : memref<65536x128xf32, #tpu.memory_space<hbm>> -> memref<65536x128xf32, #tpu.memory_space<hbm>>
    tpu.wait_indirect_dma semaphore(%arg7 : memref<!tpu.dma_semaphore, #tpu.memory_space<semaphore_mem>>) src(%dma_wait3A_32 : memref<65536x128xf32, #tpu.memory_space<hbm>>) dst(%arg6 : memref<512x128xf32, #tpu.memory_space<vmem>>)
    "tpu.region"() ({
      %run_scoped3A = tpu.sem_alloc : memref<!tpu.dma_semaphore, #tpu.memory_space<semaphore_mem>>
      %dma_start3A_33 = arith.constant 0 : i32
      %dma_start3A_34 = tpu.memref_slice %arg4[%add3A_26, %dma_start3A_33] : memref<65536x128xf32, #tpu.memory_space<hbm>> -> memref<512x128xf32, #tpu.memory_space<hbm>>
      %dma_start3A_35 = arith.constant 0 : i32
      %dma_start3A_36 = tpu.memref_slice %arg4[%add3A_26, %dma_start3A_35] : memref<65536x128xf32, #tpu.memory_space<hbm>> -> memref<512x128xf32, #tpu.memory_space<hbm>>
      tpu.enqueue_dma source(%arg6 : memref<512x128xf32, #tpu.memory_space<vmem>>) target(%dma_start3A_36 : memref<512x128xf32, #tpu.memory_space<hbm>>) target_semaphore(%run_scoped3A : memref<!tpu.dma_semaphore, #tpu.memory_space<semaphore_mem>>)
      %dma_wait3A_37 = arith.constant 0 : i32
      %dma_wait3A_38 = tpu.memref_slice %arg4[%add3A_26, %dma_wait3A_37] : memref<65536x128xf32, #tpu.memory_space<hbm>> -> memref<512x128xf32, #tpu.memory_space<hbm>>
      %dma_wait3A_39 = arith.constant 0 : i32
      %dma_wait3A_40 = tpu.memref_slice %arg4[%add3A_26, %dma_wait3A_39] : memref<65536x128xf32, #tpu.memory_space<hbm>> -> memref<512x128xf32, #tpu.memory_space<hbm>>
      tpu.wait_dma2 semaphore(%run_scoped3A : memref<!tpu.dma_semaphore, #tpu.memory_space<semaphore_mem>>) src(%arg6 : memref<512x128xf32, #tpu.memory_space<vmem>>) dst(%dma_wait3A_40 : memref<512x128xf32, #tpu.memory_space<hbm>>)
      tpu.yield
    }) : () -> ()
    return
  }
}

module attributes {stable_mosaic.version = 14 : i64} {
  func.func @_select_body(%arg0: i32, %arg1: i32, %arg2: memref<16x4096xbf16, #tpu.memory_space<vmem>>, %arg3: memref<16x8192xbf16, #tpu.memory_space<vmem>>, %arg4: memref<8x8192xf32, #tpu.memory_space<vmem>>, %arg5: memref<4096x1xi32, #tpu.memory_space<vmem>>, %arg6: memref<4096x128xf32, #tpu.memory_space<vmem>>) attributes {dimension_semantics = [#tpu.dimension_semantics<parallel>, #tpu.dimension_semantics<arbitrary>], iteration_bounds = array<i64: 16, 8>, scalar_prefetch = 0 : i64, scratch_operands = 1 : i64, tpu.core_type = #tpu.core_type<tc>, window_params = [{transform_indices = @transform_0, window_bounds = array<i64: 16, 4096>}, {transform_indices = @transform_1, window_bounds = array<i64: 16, 8192>}, {transform_indices = @transform_2, window_bounds = array<i64: 8, 8192>}, {transform_indices = @transform_3, window_bounds = array<i64: 4096, 1>}]} {
    %eq3A = arith.constant 0 : i32
    %eq3A_0 = arith.cmpi eq, %arg1, %eq3A : i32
    %convert_element_type3A = arith.extui %eq3A_0 : i1 to i32
    %cond3A = arith.constant 0 : i32
    %cond3A_1 = arith.cmpi ne, %convert_element_type3A, %cond3A : i32
    scf.if %cond3A_1 {
      %broadcast_in_dim3A = arith.constant 0x7F800000 : f32
      %broadcast_in_dim3A_848 = vector.broadcast %broadcast_in_dim3A : f32 to vector<4096x128xf32>
      %swap3A_849 = arith.constant 0 : index
      %swap3A_850 = arith.constant 0 : index
      %swap3A_851 = vector.load %arg6[%swap3A_849, %swap3A_850] : memref<4096x128xf32, #tpu.memory_space<vmem>>, vector<4096x128xf32>
      tpu.vector_store %arg6[%swap3A_849, %swap3A_850], %broadcast_in_dim3A_848 {strides = array<i32>} : memref<4096x128xf32, #tpu.memory_space<vmem>>, vector<4096x128xf32>,
    } else {
    }
    %get3A = arith.constant 0 : index
    %get3A_2 = arith.constant 0 : index
    %get3A_3 = vector.load %arg2[%get3A, %get3A_2] : memref<16x4096xbf16, #tpu.memory_space<vmem>>, vector<16x4096xbf16>
    %get3A_4 = arith.constant 0 : index
    %get3A_5 = arith.constant 0 : index
    %get3A_6 = vector.load %arg3[%get3A_4, %get3A_5] : memref<16x8192xbf16, #tpu.memory_space<vmem>>, vector<16x8192xbf16>
    %dot_general3A = arith.constant dense<0.000000e+00> : vector<4096x8192xf32>
    %dot_general3A_7 = tpu.matmul %get3A_3, %get3A_6, %dot_general3A {dimension_numbers = #tpu.dot_dimension_numbers<[0], [0], [1], [1], [0, 1, 1, 1], [], []>, transpose_lhs_hint = false} : vector<16x4096xbf16>, vector<16x8192xbf16>, vector<4096x8192xf32> -> vector<4096x8192xf32>
    %get3A_8 = arith.constant 0 : index
    %get3A_9 = arith.constant 0 : index
    %get3A_10 = vector.load %arg4[%get3A_8, %get3A_9] : memref<8x8192xf32, #tpu.memory_space<vmem>>, vector<1x8192xf32>
    %add3A = vector.broadcast %get3A_10 : vector<1x8192xf32> to vector<4096x8192xf32>
    %add3A_11 = arith.addf %add3A, %dot_general3A_7 : vector<4096x8192xf32>
    %get3A_12 = arith.constant 0 : index
    %get3A_13 = arith.constant 0 : index
    %get3A_14 = vector.load %arg6[%get3A_12, %get3A_13] : memref<4096x128xf32, #tpu.memory_space<vmem>>, vector<4096x128xf32>
    %slice3A = vector.extract_strided_slice %add3A_11 {offsets = [0, 0], sizes = [4096, 128], strides = [1, 1]} : vector<4096x8192xf32> to vector<4096x128xf32>
    %bitcast_convert_type3A = tpu.bitcast %slice3A : vector<4096x128xf32> -> vector<4096x128xi32>
    %and3A = arith.constant -512 : i32
    %and3A_15 = vector.broadcast %and3A : i32 to vector<4096x128xi32>
    %and3A_16 = arith.andi %bitcast_convert_type3A, %and3A_15 : vector<4096x128xi32>
    %mul3A = arith.constant 64 : i32
    %mul3A_17 = arith.muli %arg1, %mul3A : i32
    %add3A_18 = arith.constant 0 : i32
    %add3A_19 = arith.addi %mul3A_17, %add3A_18 : i32
    %or3A = vector.broadcast %add3A_19 : i32 to vector<4096x128xi32>
    %or3A_20 = arith.ori %and3A_16, %or3A : vector<4096x128xi32>
    %bitcast_convert_type3A_21 = tpu.bitcast %or3A_20 : vector<4096x128xi32> -> vector<4096x128xf32>
    %min3A = arith.minimumf %get3A_14, %bitcast_convert_type3A_21 : vector<4096x128xf32>
    %slice3A_22 = vector.extract_strided_slice %add3A_11 {offsets = [0, 128], sizes = [4096, 128], strides = [1, 1]} : vector<4096x8192xf32> to vector<4096x128xf32>
    %bitcast_convert_type3A_23 = tpu.bitcast %slice3A_22 : vector<4096x128xf32> -> vector<4096x128xi32>
    %and3A_24 = arith.constant -512 : i32
    %and3A_25 = vector.broadcast %and3A_24 : i32 to vector<4096x128xi32>
    %and3A_26 = arith.andi %bitcast_convert_type3A_23, %and3A_25 : vector<4096x128xi32>
    %mul3A_27 = arith.constant 64 : i32
    %mul3A_28 = arith.muli %arg1, %mul3A_27 : i32
    %add3A_29 = arith.constant 1 : i32
    %add3A_30 = arith.addi %mul3A_28, %add3A_29 : i32
    %or3A_31 = vector.broadcast %add3A_30 : i32 to vector<4096x128xi32>
    %or3A_32 = arith.ori %and3A_26, %or3A_31 : vector<4096x128xi32>
    %bitcast_convert_type3A_33 = tpu.bitcast %or3A_32 : vector<4096x128xi32> -> vector<4096x128xf32>
    %min3A_34 = arith.minimumf %min3A, %bitcast_convert_type3A_33 : vector<4096x128xf32>
    %slice3A_35 = vector.extract_strided_slice %add3A_11 {offsets = [0, 256], sizes = [4096, 128], strides = [1, 1]} : vector<4096x8192xf32> to vector<4096x128xf32>
    %bitcast_convert_type3A_36 = tpu.bitcast %slice3A_35 : vector<4096x128xf32> -> vector<4096x128xi32>
    %and3A_37 = arith.constant -512 : i32
    %and3A_38 = vector.broadcast %and3A_37 : i32 to vector<4096x128xi32>
    %and3A_39 = arith.andi %bitcast_convert_type3A_36, %and3A_38 : vector<4096x128xi32>
    %mul3A_40 = arith.constant 64 : i32
    %mul3A_41 = arith.muli %arg1, %mul3A_40 : i32
    %add3A_42 = arith.constant 2 : i32
    %add3A_43 = arith.addi %mul3A_41, %add3A_42 : i32
    %or3A_44 = vector.broadcast %add3A_43 : i32 to vector<4096x128xi32>
    %or3A_45 = arith.ori %and3A_39, %or3A_44 : vector<4096x128xi32>
    %bitcast_convert_type3A_46 = tpu.bitcast %or3A_45 : vector<4096x128xi32> -> vector<4096x128xf32>
    %min3A_47 = arith.minimumf %min3A_34, %bitcast_convert_type3A_46 : vector<4096x128xf32>
    %slice3A_48 = vector.extract_strided_slice %add3A_11 {offsets = [0, 384], sizes = [4096, 128], strides = [1, 1]} : vector<4096x8192xf32> to vector<4096x128xf32>
    %bitcast_convert_type3A_49 = tpu.bitcast %slice3A_48 : vector<4096x128xf32> -> vector<4096x128xi32>
    %and3A_50 = arith.constant -512 : i32
    %and3A_51 = vector.broadcast %and3A_50 : i32 to vector<4096x128xi32>
    %and3A_52 = arith.andi %bitcast_convert_type3A_49, %and3A_51 : vector<4096x128xi32>
    %mul3A_53 = arith.constant 64 : i32
    %mul3A_54 = arith.muli %arg1, %mul3A_53 : i32
    %add3A_55 = arith.constant 3 : i32
    %add3A_56 = arith.addi %mul3A_54, %add3A_55 : i32
    %or3A_57 = vector.broadcast %add3A_56 : i32 to vector<4096x128xi32>
    %or3A_58 = arith.ori %and3A_52, %or3A_57 : vector<4096x128xi32>
    %bitcast_convert_type3A_59 = tpu.bitcast %or3A_58 : vector<4096x128xi32> -> vector<4096x128xf32>
    %min3A_60 = arith.minimumf %min3A_47, %bitcast_convert_type3A_59 : vector<4096x128xf32>
    %slice3A_61 = vector.extract_strided_slice %add3A_11 {offsets = [0, 512], sizes = [4096, 128], strides = [1, 1]} : vector<4096x8192xf32> to vector<4096x128xf32>
    %bitcast_convert_type3A_62 = tpu.bitcast %slice3A_61 : vector<4096x128xf32> -> vector<4096x128xi32>
    %and3A_63 = arith.constant -512 : i32
    %and3A_64 = vector.broadcast %and3A_63 : i32 to vector<4096x128xi32>
    %and3A_65 = arith.andi %bitcast_convert_type3A_62, %and3A_64 : vector<4096x128xi32>
    %mul3A_66 = arith.constant 64 : i32
    %mul3A_67 = arith.muli %arg1, %mul3A_66 : i32
    %add3A_68 = arith.constant 4 : i32
    %add3A_69 = arith.addi %mul3A_67, %add3A_68 : i32
    %or3A_70 = vector.broadcast %add3A_69 : i32 to vector<4096x128xi32>
    %or3A_71 = arith.ori %and3A_65, %or3A_70 : vector<4096x128xi32>
    %bitcast_convert_type3A_72 = tpu.bitcast %or3A_71 : vector<4096x128xi32> -> vector<4096x128xf32>
    %min3A_73 = arith.minimumf %min3A_60, %bitcast_convert_type3A_72 : vector<4096x128xf32>
    %slice3A_74 = vector.extract_strided_slice %add3A_11 {offsets = [0, 640], sizes = [4096, 128], strides = [1, 1]} : vector<4096x8192xf32> to vector<4096x128xf32>
    %bitcast_convert_type3A_75 = tpu.bitcast %slice3A_74 : vector<4096x128xf32> -> vector<4096x128xi32>
    %and3A_76 = arith.constant -512 : i32
    %and3A_77 = vector.broadcast %and3A_76 : i32 to vector<4096x128xi32>
    %and3A_78 = arith.andi %bitcast_convert_type3A_75, %and3A_77 : vector<4096x128xi32>
    %mul3A_79 = arith.constant 64 : i32
    %mul3A_80 = arith.muli %arg1, %mul3A_79 : i32
    %add3A_81 = arith.constant 5 : i32
    %add3A_82 = arith.addi %mul3A_80, %add3A_81 : i32
    %or3A_83 = vector.broadcast %add3A_82 : i32 to vector<4096x128xi32>
    %or3A_84 = arith.ori %and3A_78, %or3A_83 : vector<4096x128xi32>
    %bitcast_convert_type3A_85 = tpu.bitcast %or3A_84 : vector<4096x128xi32> -> vector<4096x128xf32>
    %min3A_86 = arith.minimumf %min3A_73, %bitcast_convert_type3A_85 : vector<4096x128xf32>
    %slice3A_87 = vector.extract_strided_slice %add3A_11 {offsets = [0, 768], sizes = [4096, 128], strides = [1, 1]} : vector<4096x8192xf32> to vector<4096x128xf32>
    %bitcast_convert_type3A_88 = tpu.bitcast %slice3A_87 : vector<4096x128xf32> -> vector<4096x128xi32>
    %and3A_89 = arith.constant -512 : i32
    %and3A_90 = vector.broadcast %and3A_89 : i32 to vector<4096x128xi32>
    %and3A_91 = arith.andi %bitcast_convert_type3A_88, %and3A_90 : vector<4096x128xi32>
    %mul3A_92 = arith.constant 64 : i32
    %mul3A_93 = arith.muli %arg1, %mul3A_92 : i32
    %add3A_94 = arith.constant 6 : i32
    %add3A_95 = arith.addi %mul3A_93, %add3A_94 : i32
    %or3A_96 = vector.broadcast %add3A_95 : i32 to vector<4096x128xi32>
    %or3A_97 = arith.ori %and3A_91, %or3A_96 : vector<4096x128xi32>
    %bitcast_convert_type3A_98 = tpu.bitcast %or3A_97 : vector<4096x128xi32> -> vector<4096x128xf32>
    %min3A_99 = arith.minimumf %min3A_86, %bitcast_convert_type3A_98 : vector<4096x128xf32>
    %slice3A_100 = vector.extract_strided_slice %add3A_11 {offsets = [0, 896], sizes = [4096, 128], strides = [1, 1]} : vector<4096x8192xf32> to vector<4096x128xf32>
    %bitcast_convert_type3A_101 = tpu.bitcast %slice3A_100 : vector<4096x128xf32> -> vector<4096x128xi32>
    %and3A_102 = arith.constant -512 : i32
    %and3A_103 = vector.broadcast %and3A_102 : i32 to vector<4096x128xi32>
    %and3A_104 = arith.andi %bitcast_convert_type3A_101, %and3A_103 : vector<4096x128xi32>
    %mul3A_105 = arith.constant 64 : i32
    %mul3A_106 = arith.muli %arg1, %mul3A_105 : i32
    %add3A_107 = arith.constant 7 : i32
    %add3A_108 = arith.addi %mul3A_106, %add3A_107 : i32
    %or3A_109 = vector.broadcast %add3A_108 : i32 to vector<4096x128xi32>
    %or3A_110 = arith.ori %and3A_104, %or3A_109 : vector<4096x128xi32>
    %bitcast_convert_type3A_111 = tpu.bitcast %or3A_110 : vector<4096x128xi32> -> vector<4096x128xf32>
    %min3A_112 = arith.minimumf %min3A_99, %bitcast_convert_type3A_111 : vector<4096x128xf32>
    %slice3A_113 = vector.extract_strided_slice %add3A_11 {offsets = [0, 1024], sizes = [4096, 128], strides = [1, 1]} : vector<4096x8192xf32> to vector<4096x128xf32>
    %bitcast_convert_type3A_114 = tpu.bitcast %slice3A_113 : vector<4096x128xf32> -> vector<4096x128xi32>
    %and3A_115 = arith.constant -512 : i32
    %and3A_116 = vector.broadcast %and3A_115 : i32 to vector<4096x128xi32>
    %and3A_117 = arith.andi %bitcast_convert_type3A_114, %and3A_116 : vector<4096x128xi32>
    %mul3A_118 = arith.constant 64 : i32
    %mul3A_119 = arith.muli %arg1, %mul3A_118 : i32
    %add3A_120 = arith.constant 8 : i32
    %add3A_121 = arith.addi %mul3A_119, %add3A_120 : i32
    %or3A_122 = vector.broadcast %add3A_121 : i32 to vector<4096x128xi32>
    %or3A_123 = arith.ori %and3A_117, %or3A_122 : vector<4096x128xi32>
    %bitcast_convert_type3A_124 = tpu.bitcast %or3A_123 : vector<4096x128xi32> -> vector<4096x128xf32>
    %min3A_125 = arith.minimumf %min3A_112, %bitcast_convert_type3A_124 : vector<4096x128xf32>
    %slice3A_126 = vector.extract_strided_slice %add3A_11 {offsets = [0, 1152], sizes = [4096, 128], strides = [1, 1]} : vector<4096x8192xf32> to vector<4096x128xf32>
    %bitcast_convert_type3A_127 = tpu.bitcast %slice3A_126 : vector<4096x128xf32> -> vector<4096x128xi32>
    %and3A_128 = arith.constant -512 : i32
    %and3A_129 = vector.broadcast %and3A_128 : i32 to vector<4096x128xi32>
    %and3A_130 = arith.andi %bitcast_convert_type3A_127, %and3A_129 : vector<4096x128xi32>
    %mul3A_131 = arith.constant 64 : i32
    %mul3A_132 = arith.muli %arg1, %mul3A_131 : i32
    %add3A_133 = arith.constant 9 : i32
    %add3A_134 = arith.addi %mul3A_132, %add3A_133 : i32
    %or3A_135 = vector.broadcast %add3A_134 : i32 to vector<4096x128xi32>
    %or3A_136 = arith.ori %and3A_130, %or3A_135 : vector<4096x128xi32>
    %bitcast_convert_type3A_137 = tpu.bitcast %or3A_136 : vector<4096x128xi32> -> vector<4096x128xf32>
    %min3A_138 = arith.minimumf %min3A_125, %bitcast_convert_type3A_137 : vector<4096x128xf32>
    %slice3A_139 = vector.extract_strided_slice %add3A_11 {offsets = [0, 1280], sizes = [4096, 128], strides = [1, 1]} : vector<4096x8192xf32> to vector<4096x128xf32>
    %bitcast_convert_type3A_140 = tpu.bitcast %slice3A_139 : vector<4096x128xf32> -> vector<4096x128xi32>
    %and3A_141 = arith.constant -512 : i32
    %and3A_142 = vector.broadcast %and3A_141 : i32 to vector<4096x128xi32>
    %and3A_143 = arith.andi %bitcast_convert_type3A_140, %and3A_142 : vector<4096x128xi32>
    %mul3A_144 = arith.constant 64 : i32
    %mul3A_145 = arith.muli %arg1, %mul3A_144 : i32
    %add3A_146 = arith.constant 10 : i32
    %add3A_147 = arith.addi %mul3A_145, %add3A_146 : i32
    %or3A_148 = vector.broadcast %add3A_147 : i32 to vector<4096x128xi32>
    %or3A_149 = arith.ori %and3A_143, %or3A_148 : vector<4096x128xi32>
    %bitcast_convert_type3A_150 = tpu.bitcast %or3A_149 : vector<4096x128xi32> -> vector<4096x128xf32>
    %min3A_151 = arith.minimumf %min3A_138, %bitcast_convert_type3A_150 : vector<4096x128xf32>
    %slice3A_152 = vector.extract_strided_slice %add3A_11 {offsets = [0, 1408], sizes = [4096, 128], strides = [1, 1]} : vector<4096x8192xf32> to vector<4096x128xf32>
    %bitcast_convert_type3A_153 = tpu.bitcast %slice3A_152 : vector<4096x128xf32> -> vector<4096x128xi32>
    %and3A_154 = arith.constant -512 : i32
    %and3A_155 = vector.broadcast %and3A_154 : i32 to vector<4096x128xi32>
    %and3A_156 = arith.andi %bitcast_convert_type3A_153, %and3A_155 : vector<4096x128xi32>
    %mul3A_157 = arith.constant 64 : i32
    %mul3A_158 = arith.muli %arg1, %mul3A_157 : i32
    %add3A_159 = arith.constant 11 : i32
    %add3A_160 = arith.addi %mul3A_158, %add3A_159 : i32
    %or3A_161 = vector.broadcast %add3A_160 : i32 to vector<4096x128xi32>
    %or3A_162 = arith.ori %and3A_156, %or3A_161 : vector<4096x128xi32>
    %bitcast_convert_type3A_163 = tpu.bitcast %or3A_162 : vector<4096x128xi32> -> vector<4096x128xf32>
    %min3A_164 = arith.minimumf %min3A_151, %bitcast_convert_type3A_163 : vector<4096x128xf32>
    %slice3A_165 = vector.extract_strided_slice %add3A_11 {offsets = [0, 1536], sizes = [4096, 128], strides = [1, 1]} : vector<4096x8192xf32> to vector<4096x128xf32>
    %bitcast_convert_type3A_166 = tpu.bitcast %slice3A_165 : vector<4096x128xf32> -> vector<4096x128xi32>
    %and3A_167 = arith.constant -512 : i32
    %and3A_168 = vector.broadcast %and3A_167 : i32 to vector<4096x128xi32>
    %and3A_169 = arith.andi %bitcast_convert_type3A_166, %and3A_168 : vector<4096x128xi32>
    %mul3A_170 = arith.constant 64 : i32
    %mul3A_171 = arith.muli %arg1, %mul3A_170 : i32
    %add3A_172 = arith.constant 12 : i32
    %add3A_173 = arith.addi %mul3A_171, %add3A_172 : i32
    %or3A_174 = vector.broadcast %add3A_173 : i32 to vector<4096x128xi32>
    %or3A_175 = arith.ori %and3A_169, %or3A_174 : vector<4096x128xi32>
    %bitcast_convert_type3A_176 = tpu.bitcast %or3A_175 : vector<4096x128xi32> -> vector<4096x128xf32>
    %min3A_177 = arith.minimumf %min3A_164, %bitcast_convert_type3A_176 : vector<4096x128xf32>
    %slice3A_178 = vector.extract_strided_slice %add3A_11 {offsets = [0, 1664], sizes = [4096, 128], strides = [1, 1]} : vector<4096x8192xf32> to vector<4096x128xf32>
    %bitcast_convert_type3A_179 = tpu.bitcast %slice3A_178 : vector<4096x128xf32> -> vector<4096x128xi32>
    %and3A_180 = arith.constant -512 : i32
    %and3A_181 = vector.broadcast %and3A_180 : i32 to vector<4096x128xi32>
    %and3A_182 = arith.andi %bitcast_convert_type3A_179, %and3A_181 : vector<4096x128xi32>
    %mul3A_183 = arith.constant 64 : i32
    %mul3A_184 = arith.muli %arg1, %mul3A_183 : i32
    %add3A_185 = arith.constant 13 : i32
    %add3A_186 = arith.addi %mul3A_184, %add3A_185 : i32
    %or3A_187 = vector.broadcast %add3A_186 : i32 to vector<4096x128xi32>
    %or3A_188 = arith.ori %and3A_182, %or3A_187 : vector<4096x128xi32>
    %bitcast_convert_type3A_189 = tpu.bitcast %or3A_188 : vector<4096x128xi32> -> vector<4096x128xf32>
    %min3A_190 = arith.minimumf %min3A_177, %bitcast_convert_type3A_189 : vector<4096x128xf32>
    %slice3A_191 = vector.extract_strided_slice %add3A_11 {offsets = [0, 1792], sizes = [4096, 128], strides = [1, 1]} : vector<4096x8192xf32> to vector<4096x128xf32>
    %bitcast_convert_type3A_192 = tpu.bitcast %slice3A_191 : vector<4096x128xf32> -> vector<4096x128xi32>
    %and3A_193 = arith.constant -512 : i32
    %and3A_194 = vector.broadcast %and3A_193 : i32 to vector<4096x128xi32>
    %and3A_195 = arith.andi %bitcast_convert_type3A_192, %and3A_194 : vector<4096x128xi32>
    %mul3A_196 = arith.constant 64 : i32
    %mul3A_197 = arith.muli %arg1, %mul3A_196 : i32
    %add3A_198 = arith.constant 14 : i32
    %add3A_199 = arith.addi %mul3A_197, %add3A_198 : i32
    %or3A_200 = vector.broadcast %add3A_199 : i32 to vector<4096x128xi32>
    %or3A_201 = arith.ori %and3A_195, %or3A_200 : vector<4096x128xi32>
    %bitcast_convert_type3A_202 = tpu.bitcast %or3A_201 : vector<4096x128xi32> -> vector<4096x128xf32>
    %min3A_203 = arith.minimumf %min3A_190, %bitcast_convert_type3A_202 : vector<4096x128xf32>
    %slice3A_204 = vector.extract_strided_slice %add3A_11 {offsets = [0, 1920], sizes = [4096, 128], strides = [1, 1]} : vector<4096x8192xf32> to vector<4096x128xf32>
    %bitcast_convert_type3A_205 = tpu.bitcast %slice3A_204 : vector<4096x128xf32> -> vector<4096x128xi32>
    %and3A_206 = arith.constant -512 : i32
    %and3A_207 = vector.broadcast %and3A_206 : i32 to vector<4096x128xi32>
    %and3A_208 = arith.andi %bitcast_convert_type3A_205, %and3A_207 : vector<4096x128xi32>
    %mul3A_209 = arith.constant 64 : i32
    %mul3A_210 = arith.muli %arg1, %mul3A_209 : i32
    %add3A_211 = arith.constant 15 : i32
    %add3A_212 = arith.addi %mul3A_210, %add3A_211 : i32
    %or3A_213 = vector.broadcast %add3A_212 : i32 to vector<4096x128xi32>
    %or3A_214 = arith.ori %and3A_208, %or3A_213 : vector<4096x128xi32>
    %bitcast_convert_type3A_215 = tpu.bitcast %or3A_214 : vector<4096x128xi32> -> vector<4096x128xf32>
    %min3A_216 = arith.minimumf %min3A_203, %bitcast_convert_type3A_215 : vector<4096x128xf32>
    %slice3A_217 = vector.extract_strided_slice %add3A_11 {offsets = [0, 2048], sizes = [4096, 128], strides = [1, 1]} : vector<4096x8192xf32> to vector<4096x128xf32>
    %bitcast_convert_type3A_218 = tpu.bitcast %slice3A_217 : vector<4096x128xf32> -> vector<4096x128xi32>
    %and3A_219 = arith.constant -512 : i32
    %and3A_220 = vector.broadcast %and3A_219 : i32 to vector<4096x128xi32>
    %and3A_221 = arith.andi %bitcast_convert_type3A_218, %and3A_220 : vector<4096x128xi32>
    %mul3A_222 = arith.constant 64 : i32
    %mul3A_223 = arith.muli %arg1, %mul3A_222 : i32
    %add3A_224 = arith.constant 16 : i32
    %add3A_225 = arith.addi %mul3A_223, %add3A_224 : i32
    %or3A_226 = vector.broadcast %add3A_225 : i32 to vector<4096x128xi32>
    %or3A_227 = arith.ori %and3A_221, %or3A_226 : vector<4096x128xi32>
    %bitcast_convert_type3A_228 = tpu.bitcast %or3A_227 : vector<4096x128xi32> -> vector<4096x128xf32>
    %min3A_229 = arith.minimumf %min3A_216, %bitcast_convert_type3A_228 : vector<4096x128xf32>
    %slice3A_230 = vector.extract_strided_slice %add3A_11 {offsets = [0, 2176], sizes = [4096, 128], strides = [1, 1]} : vector<4096x8192xf32> to vector<4096x128xf32>
    %bitcast_convert_type3A_231 = tpu.bitcast %slice3A_230 : vector<4096x128xf32> -> vector<4096x128xi32>
    %and3A_232 = arith.constant -512 : i32
    %and3A_233 = vector.broadcast %and3A_232 : i32 to vector<4096x128xi32>
    %and3A_234 = arith.andi %bitcast_convert_type3A_231, %and3A_233 : vector<4096x128xi32>
    %mul3A_235 = arith.constant 64 : i32
    %mul3A_236 = arith.muli %arg1, %mul3A_235 : i32
    %add3A_237 = arith.constant 17 : i32
    %add3A_238 = arith.addi %mul3A_236, %add3A_237 : i32
    %or3A_239 = vector.broadcast %add3A_238 : i32 to vector<4096x128xi32>
    %or3A_240 = arith.ori %and3A_234, %or3A_239 : vector<4096x128xi32>
    %bitcast_convert_type3A_241 = tpu.bitcast %or3A_240 : vector<4096x128xi32> -> vector<4096x128xf32>
    %min3A_242 = arith.minimumf %min3A_229, %bitcast_convert_type3A_241 : vector<4096x128xf32>
    %slice3A_243 = vector.extract_strided_slice %add3A_11 {offsets = [0, 2304], sizes = [4096, 128], strides = [1, 1]} : vector<4096x8192xf32> to vector<4096x128xf32>
    %bitcast_convert_type3A_244 = tpu.bitcast %slice3A_243 : vector<4096x128xf32> -> vector<4096x128xi32>
    %and3A_245 = arith.constant -512 : i32
    %and3A_246 = vector.broadcast %and3A_245 : i32 to vector<4096x128xi32>
    %and3A_247 = arith.andi %bitcast_convert_type3A_244, %and3A_246 : vector<4096x128xi32>
    %mul3A_248 = arith.constant 64 : i32
    %mul3A_249 = arith.muli %arg1, %mul3A_248 : i32
    %add3A_250 = arith.constant 18 : i32
    %add3A_251 = arith.addi %mul3A_249, %add3A_250 : i32
    %or3A_252 = vector.broadcast %add3A_251 : i32 to vector<4096x128xi32>
    %or3A_253 = arith.ori %and3A_247, %or3A_252 : vector<4096x128xi32>
    %bitcast_convert_type3A_254 = tpu.bitcast %or3A_253 : vector<4096x128xi32> -> vector<4096x128xf32>
    %min3A_255 = arith.minimumf %min3A_242, %bitcast_convert_type3A_254 : vector<4096x128xf32>
    %slice3A_256 = vector.extract_strided_slice %add3A_11 {offsets = [0, 2432], sizes = [4096, 128], strides = [1, 1]} : vector<4096x8192xf32> to vector<4096x128xf32>
    %bitcast_convert_type3A_257 = tpu.bitcast %slice3A_256 : vector<4096x128xf32> -> vector<4096x128xi32>
    %and3A_258 = arith.constant -512 : i32
    %and3A_259 = vector.broadcast %and3A_258 : i32 to vector<4096x128xi32>
    %and3A_260 = arith.andi %bitcast_convert_type3A_257, %and3A_259 : vector<4096x128xi32>
    %mul3A_261 = arith.constant 64 : i32
    %mul3A_262 = arith.muli %arg1, %mul3A_261 : i32
    %add3A_263 = arith.constant 19 : i32
    %add3A_264 = arith.addi %mul3A_262, %add3A_263 : i32
    %or3A_265 = vector.broadcast %add3A_264 : i32 to vector<4096x128xi32>
    %or3A_266 = arith.ori %and3A_260, %or3A_265 : vector<4096x128xi32>
    %bitcast_convert_type3A_267 = tpu.bitcast %or3A_266 : vector<4096x128xi32> -> vector<4096x128xf32>
    %min3A_268 = arith.minimumf %min3A_255, %bitcast_convert_type3A_267 : vector<4096x128xf32>
    %slice3A_269 = vector.extract_strided_slice %add3A_11 {offsets = [0, 2560], sizes = [4096, 128], strides = [1, 1]} : vector<4096x8192xf32> to vector<4096x128xf32>
    %bitcast_convert_type3A_270 = tpu.bitcast %slice3A_269 : vector<4096x128xf32> -> vector<4096x128xi32>
    %and3A_271 = arith.constant -512 : i32
    %and3A_272 = vector.broadcast %and3A_271 : i32 to vector<4096x128xi32>
    %and3A_273 = arith.andi %bitcast_convert_type3A_270, %and3A_272 : vector<4096x128xi32>
    %mul3A_274 = arith.constant 64 : i32
    %mul3A_275 = arith.muli %arg1, %mul3A_274 : i32
    %add3A_276 = arith.constant 20 : i32
    %add3A_277 = arith.addi %mul3A_275, %add3A_276 : i32
    %or3A_278 = vector.broadcast %add3A_277 : i32 to vector<4096x128xi32>
    %or3A_279 = arith.ori %and3A_273, %or3A_278 : vector<4096x128xi32>
    %bitcast_convert_type3A_280 = tpu.bitcast %or3A_279 : vector<4096x128xi32> -> vector<4096x128xf32>
    %min3A_281 = arith.minimumf %min3A_268, %bitcast_convert_type3A_280 : vector<4096x128xf32>
    %slice3A_282 = vector.extract_strided_slice %add3A_11 {offsets = [0, 2688], sizes = [4096, 128], strides = [1, 1]} : vector<4096x8192xf32> to vector<4096x128xf32>
    %bitcast_convert_type3A_283 = tpu.bitcast %slice3A_282 : vector<4096x128xf32> -> vector<4096x128xi32>
    %and3A_284 = arith.constant -512 : i32
    %and3A_285 = vector.broadcast %and3A_284 : i32 to vector<4096x128xi32>
    %and3A_286 = arith.andi %bitcast_convert_type3A_283, %and3A_285 : vector<4096x128xi32>
    %mul3A_287 = arith.constant 64 : i32
    %mul3A_288 = arith.muli %arg1, %mul3A_287 : i32
    %add3A_289 = arith.constant 21 : i32
    %add3A_290 = arith.addi %mul3A_288, %add3A_289 : i32
    %or3A_291 = vector.broadcast %add3A_290 : i32 to vector<4096x128xi32>
    %or3A_292 = arith.ori %and3A_286, %or3A_291 : vector<4096x128xi32>
    %bitcast_convert_type3A_293 = tpu.bitcast %or3A_292 : vector<4096x128xi32> -> vector<4096x128xf32>
    %min3A_294 = arith.minimumf %min3A_281, %bitcast_convert_type3A_293 : vector<4096x128xf32>
    %slice3A_295 = vector.extract_strided_slice %add3A_11 {offsets = [0, 2816], sizes = [4096, 128], strides = [1, 1]} : vector<4096x8192xf32> to vector<4096x128xf32>
    %bitcast_convert_type3A_296 = tpu.bitcast %slice3A_295 : vector<4096x128xf32> -> vector<4096x128xi32>
    %and3A_297 = arith.constant -512 : i32
    %and3A_298 = vector.broadcast %and3A_297 : i32 to vector<4096x128xi32>
    %and3A_299 = arith.andi %bitcast_convert_type3A_296, %and3A_298 : vector<4096x128xi32>
    %mul3A_300 = arith.constant 64 : i32
    %mul3A_301 = arith.muli %arg1, %mul3A_300 : i32
    %add3A_302 = arith.constant 22 : i32
    %add3A_303 = arith.addi %mul3A_301, %add3A_302 : i32
    %or3A_304 = vector.broadcast %add3A_303 : i32 to vector<4096x128xi32>
    %or3A_305 = arith.ori %and3A_299, %or3A_304 : vector<4096x128xi32>
    %bitcast_convert_type3A_306 = tpu.bitcast %or3A_305 : vector<4096x128xi32> -> vector<4096x128xf32>
    %min3A_307 = arith.minimumf %min3A_294, %bitcast_convert_type3A_306 : vector<4096x128xf32>
    %slice3A_308 = vector.extract_strided_slice %add3A_11 {offsets = [0, 2944], sizes = [4096, 128], strides = [1, 1]} : vector<4096x8192xf32> to vector<4096x128xf32>
    %bitcast_convert_type3A_309 = tpu.bitcast %slice3A_308 : vector<4096x128xf32> -> vector<4096x128xi32>
    %and3A_310 = arith.constant -512 : i32
    %and3A_311 = vector.broadcast %and3A_310 : i32 to vector<4096x128xi32>
    %and3A_312 = arith.andi %bitcast_convert_type3A_309, %and3A_311 : vector<4096x128xi32>
    %mul3A_313 = arith.constant 64 : i32
    %mul3A_314 = arith.muli %arg1, %mul3A_313 : i32
    %add3A_315 = arith.constant 23 : i32
    %add3A_316 = arith.addi %mul3A_314, %add3A_315 : i32
    %or3A_317 = vector.broadcast %add3A_316 : i32 to vector<4096x128xi32>
    %or3A_318 = arith.ori %and3A_312, %or3A_317 : vector<4096x128xi32>
    %bitcast_convert_type3A_319 = tpu.bitcast %or3A_318 : vector<4096x128xi32> -> vector<4096x128xf32>
    %min3A_320 = arith.minimumf %min3A_307, %bitcast_convert_type3A_319 : vector<4096x128xf32>
    %slice3A_321 = vector.extract_strided_slice %add3A_11 {offsets = [0, 3072], sizes = [4096, 128], strides = [1, 1]} : vector<4096x8192xf32> to vector<4096x128xf32>
    %bitcast_convert_type3A_322 = tpu.bitcast %slice3A_321 : vector<4096x128xf32> -> vector<4096x128xi32>
    %and3A_323 = arith.constant -512 : i32
    %and3A_324 = vector.broadcast %and3A_323 : i32 to vector<4096x128xi32>
    %and3A_325 = arith.andi %bitcast_convert_type3A_322, %and3A_324 : vector<4096x128xi32>
    %mul3A_326 = arith.constant 64 : i32
    %mul3A_327 = arith.muli %arg1, %mul3A_326 : i32
    %add3A_328 = arith.constant 24 : i32
    %add3A_329 = arith.addi %mul3A_327, %add3A_328 : i32
    %or3A_330 = vector.broadcast %add3A_329 : i32 to vector<4096x128xi32>
    %or3A_331 = arith.ori %and3A_325, %or3A_330 : vector<4096x128xi32>
    %bitcast_convert_type3A_332 = tpu.bitcast %or3A_331 : vector<4096x128xi32> -> vector<4096x128xf32>
    %min3A_333 = arith.minimumf %min3A_320, %bitcast_convert_type3A_332 : vector<4096x128xf32>
    %slice3A_334 = vector.extract_strided_slice %add3A_11 {offsets = [0, 3200], sizes = [4096, 128], strides = [1, 1]} : vector<4096x8192xf32> to vector<4096x128xf32>
    %bitcast_convert_type3A_335 = tpu.bitcast %slice3A_334 : vector<4096x128xf32> -> vector<4096x128xi32>
    %and3A_336 = arith.constant -512 : i32
    %and3A_337 = vector.broadcast %and3A_336 : i32 to vector<4096x128xi32>
    %and3A_338 = arith.andi %bitcast_convert_type3A_335, %and3A_337 : vector<4096x128xi32>
    %mul3A_339 = arith.constant 64 : i32
    %mul3A_340 = arith.muli %arg1, %mul3A_339 : i32
    %add3A_341 = arith.constant 25 : i32
    %add3A_342 = arith.addi %mul3A_340, %add3A_341 : i32
    %or3A_343 = vector.broadcast %add3A_342 : i32 to vector<4096x128xi32>
    %or3A_344 = arith.ori %and3A_338, %or3A_343 : vector<4096x128xi32>
    %bitcast_convert_type3A_345 = tpu.bitcast %or3A_344 : vector<4096x128xi32> -> vector<4096x128xf32>
    %min3A_346 = arith.minimumf %min3A_333, %bitcast_convert_type3A_345 : vector<4096x128xf32>
    %slice3A_347 = vector.extract_strided_slice %add3A_11 {offsets = [0, 3328], sizes = [4096, 128], strides = [1, 1]} : vector<4096x8192xf32> to vector<4096x128xf32>
    %bitcast_convert_type3A_348 = tpu.bitcast %slice3A_347 : vector<4096x128xf32> -> vector<4096x128xi32>
    %and3A_349 = arith.constant -512 : i32
    %and3A_350 = vector.broadcast %and3A_349 : i32 to vector<4096x128xi32>
    %and3A_351 = arith.andi %bitcast_convert_type3A_348, %and3A_350 : vector<4096x128xi32>
    %mul3A_352 = arith.constant 64 : i32
    %mul3A_353 = arith.muli %arg1, %mul3A_352 : i32
    %add3A_354 = arith.constant 26 : i32
    %add3A_355 = arith.addi %mul3A_353, %add3A_354 : i32
    %or3A_356 = vector.broadcast %add3A_355 : i32 to vector<4096x128xi32>
    %or3A_357 = arith.ori %and3A_351, %or3A_356 : vector<4096x128xi32>
    %bitcast_convert_type3A_358 = tpu.bitcast %or3A_357 : vector<4096x128xi32> -> vector<4096x128xf32>
    %min3A_359 = arith.minimumf %min3A_346, %bitcast_convert_type3A_358 : vector<4096x128xf32>
    %slice3A_360 = vector.extract_strided_slice %add3A_11 {offsets = [0, 3456], sizes = [4096, 128], strides = [1, 1]} : vector<4096x8192xf32> to vector<4096x128xf32>
    %bitcast_convert_type3A_361 = tpu.bitcast %slice3A_360 : vector<4096x128xf32> -> vector<4096x128xi32>
    %and3A_362 = arith.constant -512 : i32
    %and3A_363 = vector.broadcast %and3A_362 : i32 to vector<4096x128xi32>
    %and3A_364 = arith.andi %bitcast_convert_type3A_361, %and3A_363 : vector<4096x128xi32>
    %mul3A_365 = arith.constant 64 : i32
    %mul3A_366 = arith.muli %arg1, %mul3A_365 : i32
    %add3A_367 = arith.constant 27 : i32
    %add3A_368 = arith.addi %mul3A_366, %add3A_367 : i32
    %or3A_369 = vector.broadcast %add3A_368 : i32 to vector<4096x128xi32>
    %or3A_370 = arith.ori %and3A_364, %or3A_369 : vector<4096x128xi32>
    %bitcast_convert_type3A_371 = tpu.bitcast %or3A_370 : vector<4096x128xi32> -> vector<4096x128xf32>
    %min3A_372 = arith.minimumf %min3A_359, %bitcast_convert_type3A_371 : vector<4096x128xf32>
    %slice3A_373 = vector.extract_strided_slice %add3A_11 {offsets = [0, 3584], sizes = [4096, 128], strides = [1, 1]} : vector<4096x8192xf32> to vector<4096x128xf32>
    %bitcast_convert_type3A_374 = tpu.bitcast %slice3A_373 : vector<4096x128xf32> -> vector<4096x128xi32>
    %and3A_375 = arith.constant -512 : i32
    %and3A_376 = vector.broadcast %and3A_375 : i32 to vector<4096x128xi32>
    %and3A_377 = arith.andi %bitcast_convert_type3A_374, %and3A_376 : vector<4096x128xi32>
    %mul3A_378 = arith.constant 64 : i32
    %mul3A_379 = arith.muli %arg1, %mul3A_378 : i32
    %add3A_380 = arith.constant 28 : i32
    %add3A_381 = arith.addi %mul3A_379, %add3A_380 : i32
    %or3A_382 = vector.broadcast %add3A_381 : i32 to vector<4096x128xi32>
    %or3A_383 = arith.ori %and3A_377, %or3A_382 : vector<4096x128xi32>
    %bitcast_convert_type3A_384 = tpu.bitcast %or3A_383 : vector<4096x128xi32> -> vector<4096x128xf32>
    %min3A_385 = arith.minimumf %min3A_372, %bitcast_convert_type3A_384 : vector<4096x128xf32>
    %slice3A_386 = vector.extract_strided_slice %add3A_11 {offsets = [0, 3712], sizes = [4096, 128], strides = [1, 1]} : vector<4096x8192xf32> to vector<4096x128xf32>
    %bitcast_convert_type3A_387 = tpu.bitcast %slice3A_386 : vector<4096x128xf32> -> vector<4096x128xi32>
    %and3A_388 = arith.constant -512 : i32
    %and3A_389 = vector.broadcast %and3A_388 : i32 to vector<4096x128xi32>
    %and3A_390 = arith.andi %bitcast_convert_type3A_387, %and3A_389 : vector<4096x128xi32>
    %mul3A_391 = arith.constant 64 : i32
    %mul3A_392 = arith.muli %arg1, %mul3A_391 : i32
    %add3A_393 = arith.constant 29 : i32
    %add3A_394 = arith.addi %mul3A_392, %add3A_393 : i32
    %or3A_395 = vector.broadcast %add3A_394 : i32 to vector<4096x128xi32>
    %or3A_396 = arith.ori %and3A_390, %or3A_395 : vector<4096x128xi32>
    %bitcast_convert_type3A_397 = tpu.bitcast %or3A_396 : vector<4096x128xi32> -> vector<4096x128xf32>
    %min3A_398 = arith.minimumf %min3A_385, %bitcast_convert_type3A_397 : vector<4096x128xf32>
    %slice3A_399 = vector.extract_strided_slice %add3A_11 {offsets = [0, 3840], sizes = [4096, 128], strides = [1, 1]} : vector<4096x8192xf32> to vector<4096x128xf32>
    %bitcast_convert_type3A_400 = tpu.bitcast %slice3A_399 : vector<4096x128xf32> -> vector<4096x128xi32>
    %and3A_401 = arith.constant -512 : i32
    %and3A_402 = vector.broadcast %and3A_401 : i32 to vector<4096x128xi32>
    %and3A_403 = arith.andi %bitcast_convert_type3A_400, %and3A_402 : vector<4096x128xi32>
    %mul3A_404 = arith.constant 64 : i32
    %mul3A_405 = arith.muli %arg1, %mul3A_404 : i32
    %add3A_406 = arith.constant 30 : i32
    %add3A_407 = arith.addi %mul3A_405, %add3A_406 : i32
    %or3A_408 = vector.broadcast %add3A_407 : i32 to vector<4096x128xi32>
    %or3A_409 = arith.ori %and3A_403, %or3A_408 : vector<4096x128xi32>
    %bitcast_convert_type3A_410 = tpu.bitcast %or3A_409 : vector<4096x128xi32> -> vector<4096x128xf32>
    %min3A_411 = arith.minimumf %min3A_398, %bitcast_convert_type3A_410 : vector<4096x128xf32>
    %slice3A_412 = vector.extract_strided_slice %add3A_11 {offsets = [0, 3968], sizes = [4096, 128], strides = [1, 1]} : vector<4096x8192xf32> to vector<4096x128xf32>
    %bitcast_convert_type3A_413 = tpu.bitcast %slice3A_412 : vector<4096x128xf32> -> vector<4096x128xi32>
    %and3A_414 = arith.constant -512 : i32
    %and3A_415 = vector.broadcast %and3A_414 : i32 to vector<4096x128xi32>
    %and3A_416 = arith.andi %bitcast_convert_type3A_413, %and3A_415 : vector<4096x128xi32>
    %mul3A_417 = arith.constant 64 : i32
    %mul3A_418 = arith.muli %arg1, %mul3A_417 : i32
    %add3A_419 = arith.constant 31 : i32
    %add3A_420 = arith.addi %mul3A_418, %add3A_419 : i32
    %or3A_421 = vector.broadcast %add3A_420 : i32 to vector<4096x128xi32>
    %or3A_422 = arith.ori %and3A_416, %or3A_421 : vector<4096x128xi32>
    %bitcast_convert_type3A_423 = tpu.bitcast %or3A_422 : vector<4096x128xi32> -> vector<4096x128xf32>
    %min3A_424 = arith.minimumf %min3A_411, %bitcast_convert_type3A_423 : vector<4096x128xf32>
    %slice3A_425 = vector.extract_strided_slice %add3A_11 {offsets = [0, 4096], sizes = [4096, 128], strides = [1, 1]} : vector<4096x8192xf32> to vector<4096x128xf32>
    %bitcast_convert_type3A_426 = tpu.bitcast %slice3A_425 : vector<4096x128xf32> -> vector<4096x128xi32>
    %and3A_427 = arith.constant -512 : i32
    %and3A_428 = vector.broadcast %and3A_427 : i32 to vector<4096x128xi32>
    %and3A_429 = arith.andi %bitcast_convert_type3A_426, %and3A_428 : vector<4096x128xi32>
    %mul3A_430 = arith.constant 64 : i32
    %mul3A_431 = arith.muli %arg1, %mul3A_430 : i32
    %add3A_432 = arith.constant 32 : i32
    %add3A_433 = arith.addi %mul3A_431, %add3A_432 : i32
    %or3A_434 = vector.broadcast %add3A_433 : i32 to vector<4096x128xi32>
    %or3A_435 = arith.ori %and3A_429, %or3A_434 : vector<4096x128xi32>
    %bitcast_convert_type3A_436 = tpu.bitcast %or3A_435 : vector<4096x128xi32> -> vector<4096x128xf32>
    %min3A_437 = arith.minimumf %min3A_424, %bitcast_convert_type3A_436 : vector<4096x128xf32>
    %slice3A_438 = vector.extract_strided_slice %add3A_11 {offsets = [0, 4224], sizes = [4096, 128], strides = [1, 1]} : vector<4096x8192xf32> to vector<4096x128xf32>
    %bitcast_convert_type3A_439 = tpu.bitcast %slice3A_438 : vector<4096x128xf32> -> vector<4096x128xi32>
    %and3A_440 = arith.constant -512 : i32
    %and3A_441 = vector.broadcast %and3A_440 : i32 to vector<4096x128xi32>
    %and3A_442 = arith.andi %bitcast_convert_type3A_439, %and3A_441 : vector<4096x128xi32>
    %mul3A_443 = arith.constant 64 : i32
    %mul3A_444 = arith.muli %arg1, %mul3A_443 : i32
    %add3A_445 = arith.constant 33 : i32
    %add3A_446 = arith.addi %mul3A_444, %add3A_445 : i32
    %or3A_447 = vector.broadcast %add3A_446 : i32 to vector<4096x128xi32>
    %or3A_448 = arith.ori %and3A_442, %or3A_447 : vector<4096x128xi32>
    %bitcast_convert_type3A_449 = tpu.bitcast %or3A_448 : vector<4096x128xi32> -> vector<4096x128xf32>
    %min3A_450 = arith.minimumf %min3A_437, %bitcast_convert_type3A_449 : vector<4096x128xf32>
    %slice3A_451 = vector.extract_strided_slice %add3A_11 {offsets = [0, 4352], sizes = [4096, 128], strides = [1, 1]} : vector<4096x8192xf32> to vector<4096x128xf32>
    %bitcast_convert_type3A_452 = tpu.bitcast %slice3A_451 : vector<4096x128xf32> -> vector<4096x128xi32>
    %and3A_453 = arith.constant -512 : i32
    %and3A_454 = vector.broadcast %and3A_453 : i32 to vector<4096x128xi32>
    %and3A_455 = arith.andi %bitcast_convert_type3A_452, %and3A_454 : vector<4096x128xi32>
    %mul3A_456 = arith.constant 64 : i32
    %mul3A_457 = arith.muli %arg1, %mul3A_456 : i32
    %add3A_458 = arith.constant 34 : i32
    %add3A_459 = arith.addi %mul3A_457, %add3A_458 : i32
    %or3A_460 = vector.broadcast %add3A_459 : i32 to vector<4096x128xi32>
    %or3A_461 = arith.ori %and3A_455, %or3A_460 : vector<4096x128xi32>
    %bitcast_convert_type3A_462 = tpu.bitcast %or3A_461 : vector<4096x128xi32> -> vector<4096x128xf32>
    %min3A_463 = arith.minimumf %min3A_450, %bitcast_convert_type3A_462 : vector<4096x128xf32>
    %slice3A_464 = vector.extract_strided_slice %add3A_11 {offsets = [0, 4480], sizes = [4096, 128], strides = [1, 1]} : vector<4096x8192xf32> to vector<4096x128xf32>
    %bitcast_convert_type3A_465 = tpu.bitcast %slice3A_464 : vector<4096x128xf32> -> vector<4096x128xi32>
    %and3A_466 = arith.constant -512 : i32
    %and3A_467 = vector.broadcast %and3A_466 : i32 to vector<4096x128xi32>
    %and3A_468 = arith.andi %bitcast_convert_type3A_465, %and3A_467 : vector<4096x128xi32>
    %mul3A_469 = arith.constant 64 : i32
    %mul3A_470 = arith.muli %arg1, %mul3A_469 : i32
    %add3A_471 = arith.constant 35 : i32
    %add3A_472 = arith.addi %mul3A_470, %add3A_471 : i32
    %or3A_473 = vector.broadcast %add3A_472 : i32 to vector<4096x128xi32>
    %or3A_474 = arith.ori %and3A_468, %or3A_473 : vector<4096x128xi32>
    %bitcast_convert_type3A_475 = tpu.bitcast %or3A_474 : vector<4096x128xi32> -> vector<4096x128xf32>
    %min3A_476 = arith.minimumf %min3A_463, %bitcast_convert_type3A_475 : vector<4096x128xf32>
    %slice3A_477 = vector.extract_strided_slice %add3A_11 {offsets = [0, 4608], sizes = [4096, 128], strides = [1, 1]} : vector<4096x8192xf32> to vector<4096x128xf32>
    %bitcast_convert_type3A_478 = tpu.bitcast %slice3A_477 : vector<4096x128xf32> -> vector<4096x128xi32>
    %and3A_479 = arith.constant -512 : i32
    %and3A_480 = vector.broadcast %and3A_479 : i32 to vector<4096x128xi32>
    %and3A_481 = arith.andi %bitcast_convert_type3A_478, %and3A_480 : vector<4096x128xi32>
    %mul3A_482 = arith.constant 64 : i32
    %mul3A_483 = arith.muli %arg1, %mul3A_482 : i32
    %add3A_484 = arith.constant 36 : i32
    %add3A_485 = arith.addi %mul3A_483, %add3A_484 : i32
    %or3A_486 = vector.broadcast %add3A_485 : i32 to vector<4096x128xi32>
    %or3A_487 = arith.ori %and3A_481, %or3A_486 : vector<4096x128xi32>
    %bitcast_convert_type3A_488 = tpu.bitcast %or3A_487 : vector<4096x128xi32> -> vector<4096x128xf32>
    %min3A_489 = arith.minimumf %min3A_476, %bitcast_convert_type3A_488 : vector<4096x128xf32>
    %slice3A_490 = vector.extract_strided_slice %add3A_11 {offsets = [0, 4736], sizes = [4096, 128], strides = [1, 1]} : vector<4096x8192xf32> to vector<4096x128xf32>
    %bitcast_convert_type3A_491 = tpu.bitcast %slice3A_490 : vector<4096x128xf32> -> vector<4096x128xi32>
    %and3A_492 = arith.constant -512 : i32
    %and3A_493 = vector.broadcast %and3A_492 : i32 to vector<4096x128xi32>
    %and3A_494 = arith.andi %bitcast_convert_type3A_491, %and3A_493 : vector<4096x128xi32>
    %mul3A_495 = arith.constant 64 : i32
    %mul3A_496 = arith.muli %arg1, %mul3A_495 : i32
    %add3A_497 = arith.constant 37 : i32
    %add3A_498 = arith.addi %mul3A_496, %add3A_497 : i32
    %or3A_499 = vector.broadcast %add3A_498 : i32 to vector<4096x128xi32>
    %or3A_500 = arith.ori %and3A_494, %or3A_499 : vector<4096x128xi32>
    %bitcast_convert_type3A_501 = tpu.bitcast %or3A_500 : vector<4096x128xi32> -> vector<4096x128xf32>
    %min3A_502 = arith.minimumf %min3A_489, %bitcast_convert_type3A_501 : vector<4096x128xf32>
    %slice3A_503 = vector.extract_strided_slice %add3A_11 {offsets = [0, 4864], sizes = [4096, 128], strides = [1, 1]} : vector<4096x8192xf32> to vector<4096x128xf32>
    %bitcast_convert_type3A_504 = tpu.bitcast %slice3A_503 : vector<4096x128xf32> -> vector<4096x128xi32>
    %and3A_505 = arith.constant -512 : i32
    %and3A_506 = vector.broadcast %and3A_505 : i32 to vector<4096x128xi32>
    %and3A_507 = arith.andi %bitcast_convert_type3A_504, %and3A_506 : vector<4096x128xi32>
    %mul3A_508 = arith.constant 64 : i32
    %mul3A_509 = arith.muli %arg1, %mul3A_508 : i32
    %add3A_510 = arith.constant 38 : i32
    %add3A_511 = arith.addi %mul3A_509, %add3A_510 : i32
    %or3A_512 = vector.broadcast %add3A_511 : i32 to vector<4096x128xi32>
    %or3A_513 = arith.ori %and3A_507, %or3A_512 : vector<4096x128xi32>
    %bitcast_convert_type3A_514 = tpu.bitcast %or3A_513 : vector<4096x128xi32> -> vector<4096x128xf32>
    %min3A_515 = arith.minimumf %min3A_502, %bitcast_convert_type3A_514 : vector<4096x128xf32>
    %slice3A_516 = vector.extract_strided_slice %add3A_11 {offsets = [0, 4992], sizes = [4096, 128], strides = [1, 1]} : vector<4096x8192xf32> to vector<4096x128xf32>
    %bitcast_convert_type3A_517 = tpu.bitcast %slice3A_516 : vector<4096x128xf32> -> vector<4096x128xi32>
    %and3A_518 = arith.constant -512 : i32
    %and3A_519 = vector.broadcast %and3A_518 : i32 to vector<4096x128xi32>
    %and3A_520 = arith.andi %bitcast_convert_type3A_517, %and3A_519 : vector<4096x128xi32>
    %mul3A_521 = arith.constant 64 : i32
    %mul3A_522 = arith.muli %arg1, %mul3A_521 : i32
    %add3A_523 = arith.constant 39 : i32
    %add3A_524 = arith.addi %mul3A_522, %add3A_523 : i32
    %or3A_525 = vector.broadcast %add3A_524 : i32 to vector<4096x128xi32>
    %or3A_526 = arith.ori %and3A_520, %or3A_525 : vector<4096x128xi32>
    %bitcast_convert_type3A_527 = tpu.bitcast %or3A_526 : vector<4096x128xi32> -> vector<4096x128xf32>
    %min3A_528 = arith.minimumf %min3A_515, %bitcast_convert_type3A_527 : vector<4096x128xf32>
    %slice3A_529 = vector.extract_strided_slice %add3A_11 {offsets = [0, 5120], sizes = [4096, 128], strides = [1, 1]} : vector<4096x8192xf32> to vector<4096x128xf32>
    %bitcast_convert_type3A_530 = tpu.bitcast %slice3A_529 : vector<4096x128xf32> -> vector<4096x128xi32>
    %and3A_531 = arith.constant -512 : i32
    %and3A_532 = vector.broadcast %and3A_531 : i32 to vector<4096x128xi32>
    %and3A_533 = arith.andi %bitcast_convert_type3A_530, %and3A_532 : vector<4096x128xi32>
    %mul3A_534 = arith.constant 64 : i32
    %mul3A_535 = arith.muli %arg1, %mul3A_534 : i32
    %add3A_536 = arith.constant 40 : i32
    %add3A_537 = arith.addi %mul3A_535, %add3A_536 : i32
    %or3A_538 = vector.broadcast %add3A_537 : i32 to vector<4096x128xi32>
    %or3A_539 = arith.ori %and3A_533, %or3A_538 : vector<4096x128xi32>
    %bitcast_convert_type3A_540 = tpu.bitcast %or3A_539 : vector<4096x128xi32> -> vector<4096x128xf32>
    %min3A_541 = arith.minimumf %min3A_528, %bitcast_convert_type3A_540 : vector<4096x128xf32>
    %slice3A_542 = vector.extract_strided_slice %add3A_11 {offsets = [0, 5248], sizes = [4096, 128], strides = [1, 1]} : vector<4096x8192xf32> to vector<4096x128xf32>
    %bitcast_convert_type3A_543 = tpu.bitcast %slice3A_542 : vector<4096x128xf32> -> vector<4096x128xi32>
    %and3A_544 = arith.constant -512 : i32
    %and3A_545 = vector.broadcast %and3A_544 : i32 to vector<4096x128xi32>
    %and3A_546 = arith.andi %bitcast_convert_type3A_543, %and3A_545 : vector<4096x128xi32>
    %mul3A_547 = arith.constant 64 : i32
    %mul3A_548 = arith.muli %arg1, %mul3A_547 : i32
    %add3A_549 = arith.constant 41 : i32
    %add3A_550 = arith.addi %mul3A_548, %add3A_549 : i32
    %or3A_551 = vector.broadcast %add3A_550 : i32 to vector<4096x128xi32>
    %or3A_552 = arith.ori %and3A_546, %or3A_551 : vector<4096x128xi32>
    %bitcast_convert_type3A_553 = tpu.bitcast %or3A_552 : vector<4096x128xi32> -> vector<4096x128xf32>
    %min3A_554 = arith.minimumf %min3A_541, %bitcast_convert_type3A_553 : vector<4096x128xf32>
    %slice3A_555 = vector.extract_strided_slice %add3A_11 {offsets = [0, 5376], sizes = [4096, 128], strides = [1, 1]} : vector<4096x8192xf32> to vector<4096x128xf32>
    %bitcast_convert_type3A_556 = tpu.bitcast %slice3A_555 : vector<4096x128xf32> -> vector<4096x128xi32>
    %and3A_557 = arith.constant -512 : i32
    %and3A_558 = vector.broadcast %and3A_557 : i32 to vector<4096x128xi32>
    %and3A_559 = arith.andi %bitcast_convert_type3A_556, %and3A_558 : vector<4096x128xi32>
    %mul3A_560 = arith.constant 64 : i32
    %mul3A_561 = arith.muli %arg1, %mul3A_560 : i32
    %add3A_562 = arith.constant 42 : i32
    %add3A_563 = arith.addi %mul3A_561, %add3A_562 : i32
    %or3A_564 = vector.broadcast %add3A_563 : i32 to vector<4096x128xi32>
    %or3A_565 = arith.ori %and3A_559, %or3A_564 : vector<4096x128xi32>
    %bitcast_convert_type3A_566 = tpu.bitcast %or3A_565 : vector<4096x128xi32> -> vector<4096x128xf32>
    %min3A_567 = arith.minimumf %min3A_554, %bitcast_convert_type3A_566 : vector<4096x128xf32>
    %slice3A_568 = vector.extract_strided_slice %add3A_11 {offsets = [0, 5504], sizes = [4096, 128], strides = [1, 1]} : vector<4096x8192xf32> to vector<4096x128xf32>
    %bitcast_convert_type3A_569 = tpu.bitcast %slice3A_568 : vector<4096x128xf32> -> vector<4096x128xi32>
    %and3A_570 = arith.constant -512 : i32
    %and3A_571 = vector.broadcast %and3A_570 : i32 to vector<4096x128xi32>
    %and3A_572 = arith.andi %bitcast_convert_type3A_569, %and3A_571 : vector<4096x128xi32>
    %mul3A_573 = arith.constant 64 : i32
    %mul3A_574 = arith.muli %arg1, %mul3A_573 : i32
    %add3A_575 = arith.constant 43 : i32
    %add3A_576 = arith.addi %mul3A_574, %add3A_575 : i32
    %or3A_577 = vector.broadcast %add3A_576 : i32 to vector<4096x128xi32>
    %or3A_578 = arith.ori %and3A_572, %or3A_577 : vector<4096x128xi32>
    %bitcast_convert_type3A_579 = tpu.bitcast %or3A_578 : vector<4096x128xi32> -> vector<4096x128xf32>
    %min3A_580 = arith.minimumf %min3A_567, %bitcast_convert_type3A_579 : vector<4096x128xf32>
    %slice3A_581 = vector.extract_strided_slice %add3A_11 {offsets = [0, 5632], sizes = [4096, 128], strides = [1, 1]} : vector<4096x8192xf32> to vector<4096x128xf32>
    %bitcast_convert_type3A_582 = tpu.bitcast %slice3A_581 : vector<4096x128xf32> -> vector<4096x128xi32>
    %and3A_583 = arith.constant -512 : i32
    %and3A_584 = vector.broadcast %and3A_583 : i32 to vector<4096x128xi32>
    %and3A_585 = arith.andi %bitcast_convert_type3A_582, %and3A_584 : vector<4096x128xi32>
    %mul3A_586 = arith.constant 64 : i32
    %mul3A_587 = arith.muli %arg1, %mul3A_586 : i32
    %add3A_588 = arith.constant 44 : i32
    %add3A_589 = arith.addi %mul3A_587, %add3A_588 : i32
    %or3A_590 = vector.broadcast %add3A_589 : i32 to vector<4096x128xi32>
    %or3A_591 = arith.ori %and3A_585, %or3A_590 : vector<4096x128xi32>
    %bitcast_convert_type3A_592 = tpu.bitcast %or3A_591 : vector<4096x128xi32> -> vector<4096x128xf32>
    %min3A_593 = arith.minimumf %min3A_580, %bitcast_convert_type3A_592 : vector<4096x128xf32>
    %slice3A_594 = vector.extract_strided_slice %add3A_11 {offsets = [0, 5760], sizes = [4096, 128], strides = [1, 1]} : vector<4096x8192xf32> to vector<4096x128xf32>
    %bitcast_convert_type3A_595 = tpu.bitcast %slice3A_594 : vector<4096x128xf32> -> vector<4096x128xi32>
    %and3A_596 = arith.constant -512 : i32
    %and3A_597 = vector.broadcast %and3A_596 : i32 to vector<4096x128xi32>
    %and3A_598 = arith.andi %bitcast_convert_type3A_595, %and3A_597 : vector<4096x128xi32>
    %mul3A_599 = arith.constant 64 : i32
    %mul3A_600 = arith.muli %arg1, %mul3A_599 : i32
    %add3A_601 = arith.constant 45 : i32
    %add3A_602 = arith.addi %mul3A_600, %add3A_601 : i32
    %or3A_603 = vector.broadcast %add3A_602 : i32 to vector<4096x128xi32>
    %or3A_604 = arith.ori %and3A_598, %or3A_603 : vector<4096x128xi32>
    %bitcast_convert_type3A_605 = tpu.bitcast %or3A_604 : vector<4096x128xi32> -> vector<4096x128xf32>
    %min3A_606 = arith.minimumf %min3A_593, %bitcast_convert_type3A_605 : vector<4096x128xf32>
    %slice3A_607 = vector.extract_strided_slice %add3A_11 {offsets = [0, 5888], sizes = [4096, 128], strides = [1, 1]} : vector<4096x8192xf32> to vector<4096x128xf32>
    %bitcast_convert_type3A_608 = tpu.bitcast %slice3A_607 : vector<4096x128xf32> -> vector<4096x128xi32>
    %and3A_609 = arith.constant -512 : i32
    %and3A_610 = vector.broadcast %and3A_609 : i32 to vector<4096x128xi32>
    %and3A_611 = arith.andi %bitcast_convert_type3A_608, %and3A_610 : vector<4096x128xi32>
    %mul3A_612 = arith.constant 64 : i32
    %mul3A_613 = arith.muli %arg1, %mul3A_612 : i32
    %add3A_614 = arith.constant 46 : i32
    %add3A_615 = arith.addi %mul3A_613, %add3A_614 : i32
    %or3A_616 = vector.broadcast %add3A_615 : i32 to vector<4096x128xi32>
    %or3A_617 = arith.ori %and3A_611, %or3A_616 : vector<4096x128xi32>
    %bitcast_convert_type3A_618 = tpu.bitcast %or3A_617 : vector<4096x128xi32> -> vector<4096x128xf32>
    %min3A_619 = arith.minimumf %min3A_606, %bitcast_convert_type3A_618 : vector<4096x128xf32>
    %slice3A_620 = vector.extract_strided_slice %add3A_11 {offsets = [0, 6016], sizes = [4096, 128], strides = [1, 1]} : vector<4096x8192xf32> to vector<4096x128xf32>
    %bitcast_convert_type3A_621 = tpu.bitcast %slice3A_620 : vector<4096x128xf32> -> vector<4096x128xi32>
    %and3A_622 = arith.constant -512 : i32
    %and3A_623 = vector.broadcast %and3A_622 : i32 to vector<4096x128xi32>
    %and3A_624 = arith.andi %bitcast_convert_type3A_621, %and3A_623 : vector<4096x128xi32>
    %mul3A_625 = arith.constant 64 : i32
    %mul3A_626 = arith.muli %arg1, %mul3A_625 : i32
    %add3A_627 = arith.constant 47 : i32
    %add3A_628 = arith.addi %mul3A_626, %add3A_627 : i32
    %or3A_629 = vector.broadcast %add3A_628 : i32 to vector<4096x128xi32>
    %or3A_630 = arith.ori %and3A_624, %or3A_629 : vector<4096x128xi32>
    %bitcast_convert_type3A_631 = tpu.bitcast %or3A_630 : vector<4096x128xi32> -> vector<4096x128xf32>
    %min3A_632 = arith.minimumf %min3A_619, %bitcast_convert_type3A_631 : vector<4096x128xf32>
    %slice3A_633 = vector.extract_strided_slice %add3A_11 {offsets = [0, 6144], sizes = [4096, 128], strides = [1, 1]} : vector<4096x8192xf32> to vector<4096x128xf32>
    %bitcast_convert_type3A_634 = tpu.bitcast %slice3A_633 : vector<4096x128xf32> -> vector<4096x128xi32>
    %and3A_635 = arith.constant -512 : i32
    %and3A_636 = vector.broadcast %and3A_635 : i32 to vector<4096x128xi32>
    %and3A_637 = arith.andi %bitcast_convert_type3A_634, %and3A_636 : vector<4096x128xi32>
    %mul3A_638 = arith.constant 64 : i32
    %mul3A_639 = arith.muli %arg1, %mul3A_638 : i32
    %add3A_640 = arith.constant 48 : i32
    %add3A_641 = arith.addi %mul3A_639, %add3A_640 : i32
    %or3A_642 = vector.broadcast %add3A_641 : i32 to vector<4096x128xi32>
    %or3A_643 = arith.ori %and3A_637, %or3A_642 : vector<4096x128xi32>
    %bitcast_convert_type3A_644 = tpu.bitcast %or3A_643 : vector<4096x128xi32> -> vector<4096x128xf32>
    %min3A_645 = arith.minimumf %min3A_632, %bitcast_convert_type3A_644 : vector<4096x128xf32>
    %slice3A_646 = vector.extract_strided_slice %add3A_11 {offsets = [0, 6272], sizes = [4096, 128], strides = [1, 1]} : vector<4096x8192xf32> to vector<4096x128xf32>
    %bitcast_convert_type3A_647 = tpu.bitcast %slice3A_646 : vector<4096x128xf32> -> vector<4096x128xi32>
    %and3A_648 = arith.constant -512 : i32
    %and3A_649 = vector.broadcast %and3A_648 : i32 to vector<4096x128xi32>
    %and3A_650 = arith.andi %bitcast_convert_type3A_647, %and3A_649 : vector<4096x128xi32>
    %mul3A_651 = arith.constant 64 : i32
    %mul3A_652 = arith.muli %arg1, %mul3A_651 : i32
    %add3A_653 = arith.constant 49 : i32
    %add3A_654 = arith.addi %mul3A_652, %add3A_653 : i32
    %or3A_655 = vector.broadcast %add3A_654 : i32 to vector<4096x128xi32>
    %or3A_656 = arith.ori %and3A_650, %or3A_655 : vector<4096x128xi32>
    %bitcast_convert_type3A_657 = tpu.bitcast %or3A_656 : vector<4096x128xi32> -> vector<4096x128xf32>
    %min3A_658 = arith.minimumf %min3A_645, %bitcast_convert_type3A_657 : vector<4096x128xf32>
    %slice3A_659 = vector.extract_strided_slice %add3A_11 {offsets = [0, 6400], sizes = [4096, 128], strides = [1, 1]} : vector<4096x8192xf32> to vector<4096x128xf32>
    %bitcast_convert_type3A_660 = tpu.bitcast %slice3A_659 : vector<4096x128xf32> -> vector<4096x128xi32>
    %and3A_661 = arith.constant -512 : i32
    %and3A_662 = vector.broadcast %and3A_661 : i32 to vector<4096x128xi32>
    %and3A_663 = arith.andi %bitcast_convert_type3A_660, %and3A_662 : vector<4096x128xi32>
    %mul3A_664 = arith.constant 64 : i32
    %mul3A_665 = arith.muli %arg1, %mul3A_664 : i32
    %add3A_666 = arith.constant 50 : i32
    %add3A_667 = arith.addi %mul3A_665, %add3A_666 : i32
    %or3A_668 = vector.broadcast %add3A_667 : i32 to vector<4096x128xi32>
    %or3A_669 = arith.ori %and3A_663, %or3A_668 : vector<4096x128xi32>
    %bitcast_convert_type3A_670 = tpu.bitcast %or3A_669 : vector<4096x128xi32> -> vector<4096x128xf32>
    %min3A_671 = arith.minimumf %min3A_658, %bitcast_convert_type3A_670 : vector<4096x128xf32>
    %slice3A_672 = vector.extract_strided_slice %add3A_11 {offsets = [0, 6528], sizes = [4096, 128], strides = [1, 1]} : vector<4096x8192xf32> to vector<4096x128xf32>
    %bitcast_convert_type3A_673 = tpu.bitcast %slice3A_672 : vector<4096x128xf32> -> vector<4096x128xi32>
    %and3A_674 = arith.constant -512 : i32
    %and3A_675 = vector.broadcast %and3A_674 : i32 to vector<4096x128xi32>
    %and3A_676 = arith.andi %bitcast_convert_type3A_673, %and3A_675 : vector<4096x128xi32>
    %mul3A_677 = arith.constant 64 : i32
    %mul3A_678 = arith.muli %arg1, %mul3A_677 : i32
    %add3A_679 = arith.constant 51 : i32
    %add3A_680 = arith.addi %mul3A_678, %add3A_679 : i32
    %or3A_681 = vector.broadcast %add3A_680 : i32 to vector<4096x128xi32>
    %or3A_682 = arith.ori %and3A_676, %or3A_681 : vector<4096x128xi32>
    %bitcast_convert_type3A_683 = tpu.bitcast %or3A_682 : vector<4096x128xi32> -> vector<4096x128xf32>
    %min3A_684 = arith.minimumf %min3A_671, %bitcast_convert_type3A_683 : vector<4096x128xf32>
    %slice3A_685 = vector.extract_strided_slice %add3A_11 {offsets = [0, 6656], sizes = [4096, 128], strides = [1, 1]} : vector<4096x8192xf32> to vector<4096x128xf32>
    %bitcast_convert_type3A_686 = tpu.bitcast %slice3A_685 : vector<4096x128xf32> -> vector<4096x128xi32>
    %and3A_687 = arith.constant -512 : i32
    %and3A_688 = vector.broadcast %and3A_687 : i32 to vector<4096x128xi32>
    %and3A_689 = arith.andi %bitcast_convert_type3A_686, %and3A_688 : vector<4096x128xi32>
    %mul3A_690 = arith.constant 64 : i32
    %mul3A_691 = arith.muli %arg1, %mul3A_690 : i32
    %add3A_692 = arith.constant 52 : i32
    %add3A_693 = arith.addi %mul3A_691, %add3A_692 : i32
    %or3A_694 = vector.broadcast %add3A_693 : i32 to vector<4096x128xi32>
    %or3A_695 = arith.ori %and3A_689, %or3A_694 : vector<4096x128xi32>
    %bitcast_convert_type3A_696 = tpu.bitcast %or3A_695 : vector<4096x128xi32> -> vector<4096x128xf32>
    %min3A_697 = arith.minimumf %min3A_684, %bitcast_convert_type3A_696 : vector<4096x128xf32>
    %slice3A_698 = vector.extract_strided_slice %add3A_11 {offsets = [0, 6784], sizes = [4096, 128], strides = [1, 1]} : vector<4096x8192xf32> to vector<4096x128xf32>
    %bitcast_convert_type3A_699 = tpu.bitcast %slice3A_698 : vector<4096x128xf32> -> vector<4096x128xi32>
    %and3A_700 = arith.constant -512 : i32
    %and3A_701 = vector.broadcast %and3A_700 : i32 to vector<4096x128xi32>
    %and3A_702 = arith.andi %bitcast_convert_type3A_699, %and3A_701 : vector<4096x128xi32>
    %mul3A_703 = arith.constant 64 : i32
    %mul3A_704 = arith.muli %arg1, %mul3A_703 : i32
    %add3A_705 = arith.constant 53 : i32
    %add3A_706 = arith.addi %mul3A_704, %add3A_705 : i32
    %or3A_707 = vector.broadcast %add3A_706 : i32 to vector<4096x128xi32>
    %or3A_708 = arith.ori %and3A_702, %or3A_707 : vector<4096x128xi32>
    %bitcast_convert_type3A_709 = tpu.bitcast %or3A_708 : vector<4096x128xi32> -> vector<4096x128xf32>
    %min3A_710 = arith.minimumf %min3A_697, %bitcast_convert_type3A_709 : vector<4096x128xf32>
    %slice3A_711 = vector.extract_strided_slice %add3A_11 {offsets = [0, 6912], sizes = [4096, 128], strides = [1, 1]} : vector<4096x8192xf32> to vector<4096x128xf32>
    %bitcast_convert_type3A_712 = tpu.bitcast %slice3A_711 : vector<4096x128xf32> -> vector<4096x128xi32>
    %and3A_713 = arith.constant -512 : i32
    %and3A_714 = vector.broadcast %and3A_713 : i32 to vector<4096x128xi32>
    %and3A_715 = arith.andi %bitcast_convert_type3A_712, %and3A_714 : vector<4096x128xi32>
    %mul3A_716 = arith.constant 64 : i32
    %mul3A_717 = arith.muli %arg1, %mul3A_716 : i32
    %add3A_718 = arith.constant 54 : i32
    %add3A_719 = arith.addi %mul3A_717, %add3A_718 : i32
    %or3A_720 = vector.broadcast %add3A_719 : i32 to vector<4096x128xi32>
    %or3A_721 = arith.ori %and3A_715, %or3A_720 : vector<4096x128xi32>
    %bitcast_convert_type3A_722 = tpu.bitcast %or3A_721 : vector<4096x128xi32> -> vector<4096x128xf32>
    %min3A_723 = arith.minimumf %min3A_710, %bitcast_convert_type3A_722 : vector<4096x128xf32>
    %slice3A_724 = vector.extract_strided_slice %add3A_11 {offsets = [0, 7040], sizes = [4096, 128], strides = [1, 1]} : vector<4096x8192xf32> to vector<4096x128xf32>
    %bitcast_convert_type3A_725 = tpu.bitcast %slice3A_724 : vector<4096x128xf32> -> vector<4096x128xi32>
    %and3A_726 = arith.constant -512 : i32
    %and3A_727 = vector.broadcast %and3A_726 : i32 to vector<4096x128xi32>
    %and3A_728 = arith.andi %bitcast_convert_type3A_725, %and3A_727 : vector<4096x128xi32>
    %mul3A_729 = arith.constant 64 : i32
    %mul3A_730 = arith.muli %arg1, %mul3A_729 : i32
    %add3A_731 = arith.constant 55 : i32
    %add3A_732 = arith.addi %mul3A_730, %add3A_731 : i32
    %or3A_733 = vector.broadcast %add3A_732 : i32 to vector<4096x128xi32>
    %or3A_734 = arith.ori %and3A_728, %or3A_733 : vector<4096x128xi32>
    %bitcast_convert_type3A_735 = tpu.bitcast %or3A_734 : vector<4096x128xi32> -> vector<4096x128xf32>
    %min3A_736 = arith.minimumf %min3A_723, %bitcast_convert_type3A_735 : vector<4096x128xf32>
    %slice3A_737 = vector.extract_strided_slice %add3A_11 {offsets = [0, 7168], sizes = [4096, 128], strides = [1, 1]} : vector<4096x8192xf32> to vector<4096x128xf32>
    %bitcast_convert_type3A_738 = tpu.bitcast %slice3A_737 : vector<4096x128xf32> -> vector<4096x128xi32>
    %and3A_739 = arith.constant -512 : i32
    %and3A_740 = vector.broadcast %and3A_739 : i32 to vector<4096x128xi32>
    %and3A_741 = arith.andi %bitcast_convert_type3A_738, %and3A_740 : vector<4096x128xi32>
    %mul3A_742 = arith.constant 64 : i32
    %mul3A_743 = arith.muli %arg1, %mul3A_742 : i32
    %add3A_744 = arith.constant 56 : i32
    %add3A_745 = arith.addi %mul3A_743, %add3A_744 : i32
    %or3A_746 = vector.broadcast %add3A_745 : i32 to vector<4096x128xi32>
    %or3A_747 = arith.ori %and3A_741, %or3A_746 : vector<4096x128xi32>
    %bitcast_convert_type3A_748 = tpu.bitcast %or3A_747 : vector<4096x128xi32> -> vector<4096x128xf32>
    %min3A_749 = arith.minimumf %min3A_736, %bitcast_convert_type3A_748 : vector<4096x128xf32>
    %slice3A_750 = vector.extract_strided_slice %add3A_11 {offsets = [0, 7296], sizes = [4096, 128], strides = [1, 1]} : vector<4096x8192xf32> to vector<4096x128xf32>
    %bitcast_convert_type3A_751 = tpu.bitcast %slice3A_750 : vector<4096x128xf32> -> vector<4096x128xi32>
    %and3A_752 = arith.constant -512 : i32
    %and3A_753 = vector.broadcast %and3A_752 : i32 to vector<4096x128xi32>
    %and3A_754 = arith.andi %bitcast_convert_type3A_751, %and3A_753 : vector<4096x128xi32>
    %mul3A_755 = arith.constant 64 : i32
    %mul3A_756 = arith.muli %arg1, %mul3A_755 : i32
    %add3A_757 = arith.constant 57 : i32
    %add3A_758 = arith.addi %mul3A_756, %add3A_757 : i32
    %or3A_759 = vector.broadcast %add3A_758 : i32 to vector<4096x128xi32>
    %or3A_760 = arith.ori %and3A_754, %or3A_759 : vector<4096x128xi32>
    %bitcast_convert_type3A_761 = tpu.bitcast %or3A_760 : vector<4096x128xi32> -> vector<4096x128xf32>
    %min3A_762 = arith.minimumf %min3A_749, %bitcast_convert_type3A_761 : vector<4096x128xf32>
    %slice3A_763 = vector.extract_strided_slice %add3A_11 {offsets = [0, 7424], sizes = [4096, 128], strides = [1, 1]} : vector<4096x8192xf32> to vector<4096x128xf32>
    %bitcast_convert_type3A_764 = tpu.bitcast %slice3A_763 : vector<4096x128xf32> -> vector<4096x128xi32>
    %and3A_765 = arith.constant -512 : i32
    %and3A_766 = vector.broadcast %and3A_765 : i32 to vector<4096x128xi32>
    %and3A_767 = arith.andi %bitcast_convert_type3A_764, %and3A_766 : vector<4096x128xi32>
    %mul3A_768 = arith.constant 64 : i32
    %mul3A_769 = arith.muli %arg1, %mul3A_768 : i32
    %add3A_770 = arith.constant 58 : i32
    %add3A_771 = arith.addi %mul3A_769, %add3A_770 : i32
    %or3A_772 = vector.broadcast %add3A_771 : i32 to vector<4096x128xi32>
    %or3A_773 = arith.ori %and3A_767, %or3A_772 : vector<4096x128xi32>
    %bitcast_convert_type3A_774 = tpu.bitcast %or3A_773 : vector<4096x128xi32> -> vector<4096x128xf32>
    %min3A_775 = arith.minimumf %min3A_762, %bitcast_convert_type3A_774 : vector<4096x128xf32>
    %slice3A_776 = vector.extract_strided_slice %add3A_11 {offsets = [0, 7552], sizes = [4096, 128], strides = [1, 1]} : vector<4096x8192xf32> to vector<4096x128xf32>
    %bitcast_convert_type3A_777 = tpu.bitcast %slice3A_776 : vector<4096x128xf32> -> vector<4096x128xi32>
    %and3A_778 = arith.constant -512 : i32
    %and3A_779 = vector.broadcast %and3A_778 : i32 to vector<4096x128xi32>
    %and3A_780 = arith.andi %bitcast_convert_type3A_777, %and3A_779 : vector<4096x128xi32>
    %mul3A_781 = arith.constant 64 : i32
    %mul3A_782 = arith.muli %arg1, %mul3A_781 : i32
    %add3A_783 = arith.constant 59 : i32
    %add3A_784 = arith.addi %mul3A_782, %add3A_783 : i32
    %or3A_785 = vector.broadcast %add3A_784 : i32 to vector<4096x128xi32>
    %or3A_786 = arith.ori %and3A_780, %or3A_785 : vector<4096x128xi32>
    %bitcast_convert_type3A_787 = tpu.bitcast %or3A_786 : vector<4096x128xi32> -> vector<4096x128xf32>
    %min3A_788 = arith.minimumf %min3A_775, %bitcast_convert_type3A_787 : vector<4096x128xf32>
    %slice3A_789 = vector.extract_strided_slice %add3A_11 {offsets = [0, 7680], sizes = [4096, 128], strides = [1, 1]} : vector<4096x8192xf32> to vector<4096x128xf32>
    %bitcast_convert_type3A_790 = tpu.bitcast %slice3A_789 : vector<4096x128xf32> -> vector<4096x128xi32>
    %and3A_791 = arith.constant -512 : i32
    %and3A_792 = vector.broadcast %and3A_791 : i32 to vector<4096x128xi32>
    %and3A_793 = arith.andi %bitcast_convert_type3A_790, %and3A_792 : vector<4096x128xi32>
    %mul3A_794 = arith.constant 64 : i32
    %mul3A_795 = arith.muli %arg1, %mul3A_794 : i32
    %add3A_796 = arith.constant 60 : i32
    %add3A_797 = arith.addi %mul3A_795, %add3A_796 : i32
    %or3A_798 = vector.broadcast %add3A_797 : i32 to vector<4096x128xi32>
    %or3A_799 = arith.ori %and3A_793, %or3A_798 : vector<4096x128xi32>
    %bitcast_convert_type3A_800 = tpu.bitcast %or3A_799 : vector<4096x128xi32> -> vector<4096x128xf32>
    %min3A_801 = arith.minimumf %min3A_788, %bitcast_convert_type3A_800 : vector<4096x128xf32>
    %slice3A_802 = vector.extract_strided_slice %add3A_11 {offsets = [0, 7808], sizes = [4096, 128], strides = [1, 1]} : vector<4096x8192xf32> to vector<4096x128xf32>
    %bitcast_convert_type3A_803 = tpu.bitcast %slice3A_802 : vector<4096x128xf32> -> vector<4096x128xi32>
    %and3A_804 = arith.constant -512 : i32
    %and3A_805 = vector.broadcast %and3A_804 : i32 to vector<4096x128xi32>
    %and3A_806 = arith.andi %bitcast_convert_type3A_803, %and3A_805 : vector<4096x128xi32>
    %mul3A_807 = arith.constant 64 : i32
    %mul3A_808 = arith.muli %arg1, %mul3A_807 : i32
    %add3A_809 = arith.constant 61 : i32
    %add3A_810 = arith.addi %mul3A_808, %add3A_809 : i32
    %or3A_811 = vector.broadcast %add3A_810 : i32 to vector<4096x128xi32>
    %or3A_812 = arith.ori %and3A_806, %or3A_811 : vector<4096x128xi32>
    %bitcast_convert_type3A_813 = tpu.bitcast %or3A_812 : vector<4096x128xi32> -> vector<4096x128xf32>
    %min3A_814 = arith.minimumf %min3A_801, %bitcast_convert_type3A_813 : vector<4096x128xf32>
    %slice3A_815 = vector.extract_strided_slice %add3A_11 {offsets = [0, 7936], sizes = [4096, 128], strides = [1, 1]} : vector<4096x8192xf32> to vector<4096x128xf32>
    %bitcast_convert_type3A_816 = tpu.bitcast %slice3A_815 : vector<4096x128xf32> -> vector<4096x128xi32>
    %and3A_817 = arith.constant -512 : i32
    %and3A_818 = vector.broadcast %and3A_817 : i32 to vector<4096x128xi32>
    %and3A_819 = arith.andi %bitcast_convert_type3A_816, %and3A_818 : vector<4096x128xi32>
    %mul3A_820 = arith.constant 64 : i32
    %mul3A_821 = arith.muli %arg1, %mul3A_820 : i32
    %add3A_822 = arith.constant 62 : i32
    %add3A_823 = arith.addi %mul3A_821, %add3A_822 : i32
    %or3A_824 = vector.broadcast %add3A_823 : i32 to vector<4096x128xi32>
    %or3A_825 = arith.ori %and3A_819, %or3A_824 : vector<4096x128xi32>
    %bitcast_convert_type3A_826 = tpu.bitcast %or3A_825 : vector<4096x128xi32> -> vector<4096x128xf32>
    %min3A_827 = arith.minimumf %min3A_814, %bitcast_convert_type3A_826 : vector<4096x128xf32>
    %slice3A_828 = vector.extract_strided_slice %add3A_11 {offsets = [0, 8064], sizes = [4096, 128], strides = [1, 1]} : vector<4096x8192xf32> to vector<4096x128xf32>
    %bitcast_convert_type3A_829 = tpu.bitcast %slice3A_828 : vector<4096x128xf32> -> vector<4096x128xi32>
    %and3A_830 = arith.constant -512 : i32
    %and3A_831 = vector.broadcast %and3A_830 : i32 to vector<4096x128xi32>
    %and3A_832 = arith.andi %bitcast_convert_type3A_829, %and3A_831 : vector<4096x128xi32>
    %mul3A_833 = arith.constant 64 : i32
    %mul3A_834 = arith.muli %arg1, %mul3A_833 : i32
    %add3A_835 = arith.constant 63 : i32
    %add3A_836 = arith.addi %mul3A_834, %add3A_835 : i32
    %or3A_837 = vector.broadcast %add3A_836 : i32 to vector<4096x128xi32>
    %or3A_838 = arith.ori %and3A_832, %or3A_837 : vector<4096x128xi32>
    %bitcast_convert_type3A_839 = tpu.bitcast %or3A_838 : vector<4096x128xi32> -> vector<4096x128xf32>
    %min3A_840 = arith.minimumf %min3A_827, %bitcast_convert_type3A_839 : vector<4096x128xf32>
    %swap3A = arith.constant 0 : index
    %swap3A_841 = arith.constant 0 : index
    %swap3A_842 = vector.load %arg6[%swap3A, %swap3A_841] : memref<4096x128xf32, #tpu.memory_space<vmem>>, vector<4096x128xf32>
    tpu.vector_store %arg6[%swap3A, %swap3A_841], %min3A_840 {strides = array<i32>} : memref<4096x128xf32, #tpu.memory_space<vmem>>, vector<4096x128xf32>,
    %eq3A_843 = arith.constant 7 : i32
    %eq3A_844 = arith.cmpi eq, %arg1, %eq3A_843 : i32
    %convert_element_type3A_845 = arith.extui %eq3A_844 : i1 to i32
    %cond3A_846 = arith.constant 0 : i32
    %cond3A_847 = arith.cmpi ne, %convert_element_type3A_845, %cond3A_846 : i32
    scf.if %cond3A_847 {
      %get3A_848 = arith.constant 0 : index
      %get3A_849 = arith.constant 0 : index
      %get3A_850 = vector.load %arg6[%get3A_848, %get3A_849] : memref<4096x128xf32, #tpu.memory_space<vmem>>, vector<4096x128xf32>
      %reduce_min3A = arith.constant dense<0x7F800000> : vector<4096xf32>
      %reduce_min3A_851 = vector.multi_reduction <minimumf>, %get3A_850, %reduce_min3A [1] : vector<4096x128xf32> to vector<4096xf32>
      %iota3A = tpu.iota {dimensions = array<i32: 1>} : vector<4096x128xi32>
      %broadcast_in_dim3A = vector.shape_cast %reduce_min3A_851 : vector<4096xf32> to vector<4096x1xf32>
      %eq3A_852 = vector.broadcast %broadcast_in_dim3A : vector<4096x1xf32> to vector<4096x128xf32>
      %eq3A_853 = arith.cmpf oeq, %get3A_850, %eq3A_852 : vector<4096x128xf32>
      %jit3A = arith.constant 1048576 : i32
      %broadcast_in_dim3A_854 = vector.broadcast %jit3A : i32 to vector<4096x128xi32>
      %select_n3A = arith.select %eq3A_853, %iota3A, %broadcast_in_dim3A_854 : vector<4096x128xi1>, vector<4096x128xi32>
      %reduce_min3A_855 = arith.constant dense<2147483647> : vector<4096xi32>
      %reduce_min3A_856 = vector.multi_reduction <minsi>, %select_n3A, %reduce_min3A_855 [1] : vector<4096x128xi32> to vector<4096xi32>
      %bitcast_convert_type3A_857 = tpu.bitcast %reduce_min3A_851 : vector<4096xf32> -> vector<4096xi32>
      %and3A_858 = arith.constant 511 : i32
      %and3A_859 = vector.broadcast %and3A_858 : i32 to vector<4096xi32>
      %and3A_860 = arith.andi %bitcast_convert_type3A_857, %and3A_859 : vector<4096xi32>
      %mul3A_861 = arith.constant 128 : i32
      %mul3A_862 = vector.broadcast %mul3A_861 : i32 to vector<4096xi32>
      %mul3A_863 = arith.muli %and3A_860, %mul3A_862 : vector<4096xi32>
      %add3A_864 = arith.addi %mul3A_863, %reduce_min3A_856 : vector<4096xi32>
      %reshape3A = vector.shape_cast %add3A_864 : vector<4096xi32> to vector<4096x1xi32>
      %swap3A_865 = arith.constant 0 : index
      %swap3A_866 = arith.constant 0 : index
      %swap3A_867 = vector.load %arg5[%swap3A_865, %swap3A_866] : memref<4096x1xi32, #tpu.memory_space<vmem>>, vector<4096x1xi32>
      tpu.vector_store %arg5[%swap3A_865, %swap3A_866], %reshape3A {strides = array<i32>} : memref<4096x1xi32, #tpu.memory_space<vmem>>, vector<4096x1xi32>,
    } else {
    }
    return
  }
  func.func @transform_0(%arg0: i32, %arg1: i32) -> (i32, i32) {
    %c0_i32 = arith.constant 0 : i32
    %c0_i32_0 = arith.constant 0 : i32
    return %c0_i32, %arg0 : i32, i32
  }
  func.func @transform_1(%arg0: i32, %arg1: i32) -> (i32, i32) {
    %c0_i32 = arith.constant 0 : i32
    %c0_i32_0 = arith.constant 0 : i32
    return %c0_i32, %arg1 : i32, i32
  }
  func.func @transform_2(%arg0: i32, %arg1: i32) -> (i32, i32) {
    %c0_i32 = arith.constant 0 : i32
    %c0_i32_0 = arith.constant 0 : i32
    return %c0_i32, %arg1 : i32, i32
  }
  func.func @transform_3(%arg0: i32, %arg1: i32) -> (i32, i32) {
    %c0_i32 = arith.constant 0 : i32
    %c0_i32_0 = arith.constant 0 : i32
    return %arg0, %c0_i32 : i32, i32
  }
}

module attributes {stable_mosaic.version = 14 : i64} {
  func.func @_reduce_body(%arg0: i32, %arg1: memref<4096x128xf32, #tpu.memory_space<vmem>>, %arg2: memref<4096x3xf32, #tpu.memory_space<vmem>>, %arg3: memref<1x1xf32, #tpu.memory_space<vmem>>, %arg4: memref<1xf32, #tpu.memory_space<smem>>) attributes {dimension_semantics = [#tpu.dimension_semantics<arbitrary>], iteration_bounds = array<i64: 16>, scalar_prefetch = 0 : i64, scratch_operands = 1 : i64, tpu.core_type = #tpu.core_type<tc>, window_params = [{transform_indices = @transform_0, window_bounds = array<i64: 4096, 128>}, {transform_indices = @transform_1, window_bounds = array<i64: 4096, 3>}, {pipeline_mode = #tpu.pipeline_mode<synchronous>, transform_indices = @transform_2, window_bounds = array<i64: 1, 1>}]} {
    %eq3A = arith.constant 0 : i32
    %eq3A_0 = arith.cmpi eq, %arg0, %eq3A : i32
    %convert_element_type3A = arith.extui %eq3A_0 : i1 to i32
    %cond3A = arith.constant 0 : i32
    %cond3A_1 = arith.cmpi ne, %convert_element_type3A, %cond3A : i32
    scf.if %cond3A_1 {
      %swap3A_37 = arith.constant 0.000000e+00 : f32
      %swap3A_38 = arith.constant 0 : index
      %swap3A_39 = memref.load %arg4[%swap3A_38] : memref<1xf32, #tpu.memory_space<smem>>
      memref.store %swap3A_37, %arg4[%swap3A_38] : memref<1xf32, #tpu.memory_space<smem>>
    } else {
    }
    %get3A = arith.constant 0 : index
    %get3A_2 = arith.constant 0 : index
    %get3A_3 = vector.load %arg1[%get3A, %get3A_2] : memref<4096x128xf32, #tpu.memory_space<vmem>>, vector<4096x1xf32>
    %get3A_4 = arith.constant 0 : index
    %get3A_5 = arith.constant 0 : index
    %get3A_6 = vector.load %arg2[%get3A_4, %get3A_5] : memref<4096x3xf32, #tpu.memory_space<vmem>>, vector<4096x1xf32>
    %sub3A = arith.subf %get3A_3, %get3A_6 : vector<4096x1xf32>
    %get3A_7 = arith.constant 0 : index
    %get3A_8 = arith.constant 1 : index
    %get3A_9 = vector.load %arg1[%get3A_7, %get3A_8] : memref<4096x128xf32, #tpu.memory_space<vmem>>, vector<4096x1xf32>
    %get3A_10 = arith.constant 0 : index
    %get3A_11 = arith.constant 1 : index
    %get3A_12 = vector.load %arg2[%get3A_10, %get3A_11] : memref<4096x3xf32, #tpu.memory_space<vmem>>, vector<4096x1xf32>
    %sub3A_13 = arith.subf %get3A_9, %get3A_12 : vector<4096x1xf32>
    %get3A_14 = arith.constant 0 : index
    %get3A_15 = arith.constant 2 : index
    %get3A_16 = vector.load %arg1[%get3A_14, %get3A_15] : memref<4096x128xf32, #tpu.memory_space<vmem>>, vector<4096x1xf32>
    %get3A_17 = arith.constant 0 : index
    %get3A_18 = arith.constant 2 : index
    %get3A_19 = vector.load %arg2[%get3A_17, %get3A_18] : memref<4096x3xf32, #tpu.memory_space<vmem>>, vector<4096x1xf32>
    %sub3A_20 = arith.subf %get3A_16, %get3A_19 : vector<4096x1xf32>
    %mul3A = arith.mulf %sub3A, %sub3A : vector<4096x1xf32>
    %mul3A_21 = arith.mulf %sub3A_13, %sub3A_13 : vector<4096x1xf32>
    %add3A = arith.addf %mul3A, %mul3A_21 : vector<4096x1xf32>
    %mul3A_22 = arith.mulf %sub3A_20, %sub3A_20 : vector<4096x1xf32>
    %add3A_23 = arith.addf %add3A, %mul3A_22 : vector<4096x1xf32>
    %get3A_24 = arith.constant 0 : index
    %get3A_25 = memref.load %arg4[%get3A_24] : memref<1xf32, #tpu.memory_space<smem>>
    %reduce_sum3A = vector.shape_cast %add3A_23 : vector<4096x1xf32> to vector<1x4096x1xf32>
    %reduce_sum3A_26 = arith.constant dense<0.000000e+00> : vector<1xf32>
    %reduce_sum3A_27 = vector.multi_reduction <add>, %reduce_sum3A, %reduce_sum3A_26 [1, 2] : vector<1x4096x1xf32> to vector<1xf32>
    %reduce_sum3A_28 = vector.shape_cast %reduce_sum3A_27 : vector<1xf32> to vector<1x1x1xf32>
    %reduce_sum3A_29 = vector.extract %reduce_sum3A_28[0, 0, 0] : f32 from vector<1x1x1xf32>
    %add3A_30 = arith.addf %get3A_25, %reduce_sum3A_29 : f32
    %swap3A = arith.constant 0 : index
    %swap3A_31 = memref.load %arg4[%swap3A] : memref<1xf32, #tpu.memory_space<smem>>
    memref.store %add3A_30, %arg4[%swap3A] : memref<1xf32, #tpu.memory_space<smem>>
    %eq3A_32 = arith.constant 15 : i32
    %eq3A_33 = arith.cmpi eq, %arg0, %eq3A_32 : i32
    %convert_element_type3A_34 = arith.extui %eq3A_33 : i1 to i32
    %cond3A_35 = arith.constant 0 : i32
    %cond3A_36 = arith.cmpi ne, %convert_element_type3A_34, %cond3A_35 : i32
    scf.if %cond3A_36 {
      %get3A_37 = arith.constant 0 : index
      %get3A_38 = memref.load %arg4[%get3A_37] : memref<1xf32, #tpu.memory_space<smem>>
      %broadcast_in_dim3A = vector.broadcast %get3A_38 : f32 to vector<1x1xf32>
      %swap3A_39 = arith.constant 0 : index
      %swap3A_40 = arith.constant 0 : index
      %swap3A_41 = vector.load %arg3[%swap3A_39, %swap3A_40] : memref<1x1xf32, #tpu.memory_space<vmem>>, vector<1x1xf32>
      tpu.vector_store %arg3[%swap3A_39, %swap3A_40], %broadcast_in_dim3A {strides = array<i32>} : memref<1x1xf32, #tpu.memory_space<vmem>>, vector<1x1xf32>,
    } else {
    }
    return
  }
  func.func @transform_0(%arg0: i32) -> (i32, i32) {
    %c0_i32 = arith.constant 0 : i32
    %c0_i32_0 = arith.constant 0 : i32
    return %arg0, %c0_i32 : i32, i32
  }
  func.func @transform_1(%arg0: i32) -> (i32, i32) {
    %c0_i32 = arith.constant 0 : i32
    %c0_i32_0 = arith.constant 0 : i32
    return %arg0, %c0_i32 : i32, i32
  }
  func.func @transform_2(%arg0: i32) -> (i32, i32) {
    %c0_i32 = arith.constant 0 : i32
    %c0_i32_0 = arith.constant 0 : i32
    %c0_i32_1 = arith.constant 0 : i32
    return %c0_i32, %c0_i32_0 : i32, i32
  }
}

</mosaic_0001>

<sc_bundles>
// kernel: kernel.5.cloned.1.call-start
scs
__scs_entry_jumppad:
0x0: {  	(pc) =	sbr.rel $0x88, $3  }
0x1: {  	(tag) =	ssettag $0x0;
	lr =	simm.s32 $0x1  }
0x2: {  	[smem:$0x3F9F] =	sst lr;
	_ =	strace $0xD0000000  }
0x3: {  	_ = 	snop  }
0x4: {  	_ = 	snop  }
0x5: {  	_ = 	snop  }
0x6: {  	_ = 	snop  }
0x7: {  	_ = 	snop  }
__scs_overlays_trampoline_lowered:
0x8: {  	[smem:$0x3FAE] =	sst s0  }
0x9: {  	[smem:$0x3FAF] =	sst s1  }
0xa: {  	[smem:$0x3FB0] =	sst s2  }
0xb: {  	[smem:$0x3FB1] =	sst s3  }
0xc: {  	[smem:$0x3FB2] =	sst s4  }
0xd: {  	[smem:$0x3FB3] =	sst s5  }
0xe: {  	[smem:$0x3FB4] =	sst s6  }
0xf: {  	[smem:$0x3FB5] =	sst s7  }
0x10: {  	[smem:$0x3FB6] =	sst s8  }
0x11: {  	[smem:$0x3FB7] =	sst s9;
	s0 =	simm.s32 @!p0 $0x0  }
0x12: {  	s1 =	sld [smem:$0x3F9D];
	s0 =	simm.s32 @p0 $0x1  }
0x13: {  	[smem:$0x3FB8] =	sst s0;
	s0 =	simm.s32 @!p1 $0x0  }
0x14: {  	s2 =	sld [smem:$0x3F9C];
	s0 =	simm.s32 @p1 $0x1  }
0x15: {  	[smem:$0x3FB9] =	sst s0;
	s0 =	simm.s32 @!p2 $0x0  }
0x16: {  	s3 =	sld [smem:$0x3FDB];
	s0 =	simm.s32 @p2 $0x1  }
0x17: {  	s4 =	simm.s32 $0x1BF5;
	[smem:$0x3FBB] =	sst s0  }
0x18: {  	s0 =	sld [smem:$0x3F9E];
	_ =	swait.ge [sflag:s4], $0x0  }
0x19: {  	s7 =	sld [smem:$0x3F9F]  }
0x1a: {  	s8 =	sadd.s32 $0xFFFFE003, lr  }
0x1b: {  	s9 =	sadd.s32 $0xFFFFFEF7, lr;
	s5 =	simm.s32 $0xFFFFFFFF;
	p2 =	slt.u32 s8, $0xFFFFF086  }
0x1c: {  	p1 =	slt.u32 s9, $0xF7A;
	s5 =	simm.s32 @!p2 $0x0  }
0x1d: {  	s5 =	simm.s32 @p1 $0x1;
	p0 =	seq.s32 s7, s2  }
0x1e: {  	s7 =	smul.u32 @!p0 $0xF7A, s2;
	p2 =	seq.s32 @!p0 s5, $0x0  }
0x1f: {  	s9 =	smul.u32 $0xF7A, s1;
	s8 =	simm.s32 @!p0 $0x1BF5;
	p2 =	por !p2, p0  }
0x20: {  	[sflag:s8] =	ssyncset.s32 @!p0 $0xFFFFF086;
	s6 =	sadd.s32 @!p0 s3, s7;
	s7 =	simm.s32 @!p0 $0x108  }
0x21: {  	s3 =	sadd.s32 s3, s9;
	s6 =	sadd.s32 @!p0 $0x88, s6;
	s7 =	simm.s32 @p2 $0x1082  }
0x22: {  	[simem:s7], [sflag:s8] =	dma.local @!p0 [hbm:s6], $0xF7A  }
0x23: {  	s9 =	sor.u32 $0xD0000000, s2;
	s6 =	simm.s32 $0x108;
	_ =	swait.ge @!p0 [sflag:s8], $0x0  }
0x24: {  	s3 =	sadd.s32 $0x88, s3;
	s6 =	simm.s32 @!p1 $0x1082;
	[sflag:s4] =	ssyncset.s32 $0xFFFFF086  }
0x25: {  	[simem:s6], [sflag:s4] =	dma.local [hbm:s3], $0xF7A  }
0x26: {  	[smem:$0x3F9F] =	sst s1;
	(tag) =	ssettag s2;
	_ =	strace s9  }
0x27: {  	s1 =	sld [smem:$0x3FAF]  }
0x28: {  	s2 =	sld [smem:$0x3FB0]  }
0x29: {  	s4 =	sld [smem:$0x3FB2]  }
0x2a: {  	p0 =	seq.s32 s5, $0x0;
	s5 =	sld [smem:$0x3FB3]  }
0x2b: {  	s6 =	sld [smem:$0x3FB4]  }
0x2c: {  	s7 =	sld [smem:$0x3FB5]  }
0x2d: {  	s3 =	simm.s32 $0x108;
	s8 =	sld [smem:$0x3FB6]  }
0x2e: {  	s3 =	simm.s32 @!p0 $0x1082;
	s9 =	sld [smem:$0x3FB7]  }
0x2f: {  	lr =	sadd.s32 s0, s3;
	s0 =	sld [smem:$0x3FAE]  }
0x30: {  	s3 =	sld [smem:$0x3FB1]  }
0x31: {  	[smem:$0x3FBA] =	sst s10  }
0x32: {  	s10 =	sld [smem:$0x3FB8];
	_ =	sdelay $0x3  }
0x33: {  	p0 =	seq.s32 s10, $0x1;
	s10 =	sld [smem:$0x3FBA];
	_ =	sdelay $0x3  }
0x34: {  	[smem:$0x3FBA] =	sst s10  }
0x35: {  	s10 =	sld [smem:$0x3FB9];
	_ =	sdelay $0x3  }
0x36: {  	p1 =	seq.s32 s10, $0x1;
	s10 =	sld [smem:$0x3FBA];
	_ =	sdelay $0x3  }
0x37: {  	[smem:$0x3FBA] =	sst s10  }
0x38: {  	s10 =	sld [smem:$0x3FBB]  }
0x39: {  	_ = 	snop;
	(pc) =	sbr.ind lr, $3  }
0x3a: {  	_ = 	snop  }
0x3b: {  	_ = 	snop  }
0x3c: {  	p2 =	seq.s32 s10, $0x1;
	s10 =	sld [smem:$0x3FBA]  }
0x3d: {  	_ =	shalt  }
0x3e: {  	_ =	shalt  }
0x3f: {  	_ =	shalt  }
0x40: {  	_ =	shalt  }
0x41: {  	_ =	shalt  }
0x42: {  	_ =	shalt  }
0x43: {  	_ =	shalt  }
0x44: {  	_ =	shalt  }
0x45: {  	_ =	shalt  }
0x46: {  	_ =	shalt  }
0x47: {  	_ =	shalt  }
0x48: {  	_ =	shalt  }
0x49: {  	_ =	shalt  }
0x4a: {  	_ =	shalt  }
0x4b: {  	_ =	shalt  }
0x4c: {  	_ =	shalt  }
0x4d: {  	_ =	shalt  }
0x4e: {  	_ =	shalt  }
0x4f: {  	_ =	shalt  }
0x50: {  	_ =	shalt  }
0x51: {  	_ =	shalt  }
0x52: {  	_ =	shalt  }
0x53: {  	_ =	shalt  }
0x54: {  	_ =	shalt  }
0x55: {  	_ =	shalt  }
0x56: {  	_ =	shalt  }
0x57: {  	_ =	shalt  }
0x58: {  	_ =	shalt  }
0x59: {  	_ =	shalt  }
0x5a: {  	_ =	shalt  }
0x5b: {  	_ =	shalt  }
0x5c: {  	_ =	shalt  }
0x5d: {  	_ =	shalt  }
0x5e: {  	_ =	shalt  }
0x5f: {  	_ =	shalt  }
0x60: {  	_ =	shalt  }
0x61: {  	_ =	shalt  }
0x62: {  	_ =	shalt  }
0x63: {  	_ =	shalt  }
0x64: {  	_ =	shalt  }
0x65: {  	_ =	shalt  }
0x66: {  	_ =	shalt  }
0x67: {  	_ =	shalt  }
0x68: {  	_ =	shalt  }
0x69: {  	_ =	shalt  }
0x6a: {  	_ =	shalt  }
0x6b: {  	_ =	shalt  }
0x6c: {  	_ =	shalt  }
0x6d: {  	_ =	shalt  }
0x6e: {  	_ =	shalt  }
0x6f: {  	_ =	shalt  }
0x70: {  	_ =	shalt  }
0x71: {  	_ =	shalt  }
0x72: {  	_ =	shalt  }
0x73: {  	_ =	shalt  }
0x74: {  	_ =	shalt  }
0x75: {  	_ =	shalt  }
0x76: {  	_ =	shalt  }
0x77: {  	_ =	shalt  }
0x78: {  	_ =	shalt  }
0x79: {  	_ =	shalt  }
0x7a: {  	_ =	shalt  }
0x7b: {  	_ =	shalt  }
0x7c: {  	_ =	shalt  }
0x7d: {  	_ =	shalt  }
0x7e: {  	_ =	shalt  }
0x7f: {  	_ =	shalt  }
0x80: {  	_ =	shalt  }
0x81: {  	_ =	shalt  }
0x82: {  	_ =	shalt  }
0x83: {  	_ =	shalt  }
0x84: {  	_ =	shalt  }
0x85: {  	_ =	shalt  }
0x86: {  	_ =	shalt  }
0x87: {  	_ =	shalt  }
.Lfunc_end0:
.L_simem_size_0:
called_computation_lowered:
.L_overlay_start_0:
0x88: {  	s2 =	sld [smem:$0x3FD9]  }
0x89: {  	s3 =	sld [smem:$0x3FFE];
	_ =	sdelay $0x1  }
0x8a: {  	s1 =	srdreg.scid  }
0x8b: {  	s0 =	sand.u32 $0x1, s1  }
0x8c: {  	s16 =	sshll.u32 s0, $0xA;
	s2 =	sadd.s32 s3, s2  }
0x8d: {  	s2 =	sadd.s32 s2, s16  }
0x8e: {  	[smem:$0x3FC6] =	sst s2  }
0x8f: {  	_ = 	snop  }
0x90: {  	(tm) =	ssettm $0x1  }
0x91: {  	s17 =	sld [smem:$0x3FFB];
	_ =	sdelay $0x3  }
0x92: {  	_ =	strace s17  }
0x93: {  	s2 =	sld [smem:$0x3FFC];
	_ =	sdelay $0x3  }
0x94: {  	_ =	strace s2  }
0x95: {  	s2 =	sld [smem:$0x3FFD];
	_ =	sdelay $0x3  }
0x96: {  	_ =	strace s2  }
0x97: {  	_ =	strace $0x8FFFFFFF  }
0x98: {  	s18 =	sld [smem:$0x3FDB];
	_ =	sdelay $0x1  }
0x99: {  	s19 =	simm.s32 $_scs_section_size  }
0x9a: {  	s4 =	simm.s32 $_size__tile_overlayer_lowered;
	s5 =	simm.s32 $_tile_overlayer_lowered  }
0x9b: {  	s22 =	simm.s32 $0x1BFF;
	s21 =	sshll.u32 s5, $0x1;
	s2 =	sadd.s32 s19, s18  }
0x9c: {  	s6 =	simm.s32 $0x0;
	s20 =	sshll.u32 s4, $0x1;
	s4 =	sadd.s32 s21, s2  }
0x9d: {  	[timem:s6], [sflag:s22] =	dma.local [hbm:s4], s20  }
0x9e: {  	_ =	swait.ge [sflag:s22], s20  }
0x9f: {  	s3 =	ssub.s32 $0x0, s20;
	[sflag:s22] =	ssyncset.done $0x0  }
0xa0: {  	[sflag:s22] =	ssyncadd.s32 s3;
	_ =	sdelay $0x1  }
0xa1: {  	s23 =	simm.s32 $0x1B8B  }
0xa2: {  	_ =	swait.ge [sflag:s23], $0x1  }
0xa3: {  	[sflag:s23] =	ssyncset.done $0x0  }
0xa4: {  	s25 =	simm.s32 $0x1B8E;
	s24 =	sld [smem:$0x3FFE];
	[sflag:s23] =	ssyncadd.s32 $0xFFFFFFFF  }
0xa5: {  	s26 =	simm.s32 $execute0_lowered;
	[smem:$0x3FD2] =	sst s25  }
0xa6: {  	s4 =	sshll.u32 s26, $0x1;
	_ =	strace $0x80000046;
	[dreg:$0x1] =	wrdreg $0xFFFFFFFF  }
0xa7: {  	s28 =	simm.s32 $_size_execute0_lowered;
	s2 =	sadd.s32 s2, s4;
	[dreg:$0x0] =	wrdreg $0x0  }
0xa8: {  	s4 =	sshll.u32 s28, $0x1;
	[dreg:$0x2] =	wrdreg s2  }
0xa9: {  	[dreg:$0x3] =	wrdreg s4  }
0xaa: {  	[dreg:$0x4] =	wrdreg $0xC0  }
0xab: {  	_ =	task [dreg:s6], $0x5FFFF  }
0xac: {  	[dreg:$0x1] =	wrdreg $0xFFFFFFFF  }
0xad: {  	[dreg:$0x0] =	wrdreg $0x60  }
0xae: {  	[dreg:$0x2] =	wrdreg s24  }
0xaf: {  	[dreg:$0x3] =	wrdreg $0x9  }
0xb0: {  	_ =	task.clear_ibuf [dreg:s6], $0x4FFFF;
	_ =	strace $0x90000046  }
0xb1: {  	s29 =	simm.s32 $0x9;
	_ =	strace $0x80000048  }
0xb2: {  	_ =	swait.ge [sflag:s29], $0x1  }
0xb3: {  	[sflag:s29] =	ssyncadd.s32 $0xFFFFFFFF  }
0xb4: {  	_ =	strace $0x90000048  }
0xb5: {  	_ =	sfence  }
0xb6: {  	s30 =	sld [smem:$0x0];
	_ =	sdelay $0x2  }
0xb7: {  	s31 =	sshll.u32 s1, $0xD;
	s1 =	sshrl.u32 s1, $0x2  }
0xb8: {  	s3 =	sand.u32 $0x4000, s31;
	s1 =	sadd.s32 s1, s30  }
0xb9: {  	s0 =	sor.u32 s3, s0;
	s1 =	sshll.u32 s1, $0x11  }
0xba: {  	s0 =	sor.u32 s1, s0  }
0xbb: {  	s0 =	sadd.s32 $0x8F2B, s0  }
0xbc: {  	[sflag:s0] =	ssyncadd.remote.s32 $0x1  }
0xbd: {  	_ =	sfence.sel $0xFFFF  }
0xbe: {  	[dreg:$0x0] =	wrdreg $0xFFFFFFFF;
	(pc) =	sbr.abs _section_cstart, $3  }
0xbf: {  	[dreg:$0x1] =	wrdreg $0xFFFFFFFF  }
0xc0: {  	_ =	task.clear_ibuf [dreg:s6], $0x2FFFF;
	_ =	strace $0x9FFFFFFF  }
0xc1: {  	(tm) =	ssettm $0x7FFFFFFF  }
tec
execute0_lowered:
.L_overlay_start_1:
0x0: {  	(tag) =	ssettag $0x1  }
0x1: {  	s1 =	srdreg.scid  }
0x2: {  	s0 =	stileid.u32;
	s14 =	sand.u32 $0x1, s1  }
0x3: {  	s8 =	rddreg [dreg:$0x0];
	s3 =	sshll.u32 s0, $0xC;
	s4 =	sshll.u32 s14, $0xB  }
0x4: {  	s2 =	simm.s32 $0x0;
	s1 =	rddreg [dreg:$0x1];
	s13 =	sor.u32 s4, s3  }
0x5: {  	[smem:$0x7FF] =	sst s2;
	s15 =	sadd.s32 $0x200200, s8;
	s3 =	sshrl.u32 s13, $0x3  }
0x6: {  	_ =	strace $0x80000047;
	s4 =	sadd.s32 s15, s3;
	s3 =	simm.s32 $0x2  }
0x7: {  	[tilespmem:s2], [sflag:$0x2] =	stream.linear.gather [hbm4b:s4+s2], $0x200, $0x38;
	[tilespmem:$0x10200] =	vst v63  }
0x8: {  	_ =	swait.ge [sflag:s3], $0x200  }
0x9: {  	s6 =	simm.s32 $0x200;
	[sflag:s3] =	ssyncset.done $0x0  }
0xa: {  	s7 =	simm.s32 $0x1;
	s5 =	sadd.s32 $0x100200, s8;
	[sflag:s3] =	ssyncadd.s32 $0xFFFFFE00  }
0xb: {  	[tilespmem:s6], [sflag:$0x1] =	stream.indirect.gather [hbm4b:s5+s6], $0x80, s2, s6, $0xb8;
	[tilespmem:$0x10200] =	vst v63  }
0xc: {  	_ =	swait.ge [sflag:s7], $0x10000  }
0xd: {  	s16 =	sadd.s32 $0x200, s8;
	s29 =	sshll.u32 s13, $0x4;
	[sflag:s7] =	ssyncset.done $0x0  }
0xe: {  	s8 =	sadd.s32 s16, s29;
	[sflag:s7] =	ssyncadd.s32 $0xFFFF0000  }
0xf: {  	[hbm4b:s8+s2] =	stream.linear.scatter [tilespmem:s6], [sflag:$0x2], $0x10000, $0x38;
	[tilespmem:$0x10200] =	vst v63  }
0x10: {  	s10 =	sor.u32 $0x200, s13;
	_ =	swait.ge [sflag:s3], $0x10000  }
0x11: {  	s9 =	sshrl.u32 s10, $0x3;
	[sflag:s3] =	ssyncset.done $0x0  }
0x12: {  	s9 =	sadd.s32 s15, s9;
	[sflag:s3] =	ssyncadd.s32 $0xFFFF0000  }
0x13: {  	[tilespmem:s2], [sflag:$0x2] =	stream.linear.gather [hbm4b:s9+s2], $0x200, $0x38;
	[tilespmem:$0x10200] =	vst v63  }
0x14: {  	_ =	swait.ge [sflag:s3], $0x200  }
0x15: {  	[sflag:s3] =	ssyncset.done $0x0  }
0x16: {  	[sflag:s3] =	ssyncadd.s32 $0xFFFFFE00  }
0x17: {  	[tilespmem:s6], [sflag:$0x1] =	stream.indirect.gather [hbm4b:s5+s6], $0x80, s2, s6, $0xb8;
	[tilespmem:$0x10200] =	vst v63  }
0x18: {  	_ =	swait.ge [sflag:s7], $0x10000  }
0x19: {  	s10 =	sshll.u32 s10, $0x4;
	[sflag:s7] =	ssyncset.done $0x0  }
0x1a: {  	s10 =	sadd.s32 s16, s10;
	[sflag:s7] =	ssyncadd.s32 $0xFFFF0000  }
0x1b: {  	[hbm4b:s10+s2] =	stream.linear.scatter [tilespmem:s6], [sflag:$0x2], $0x10000, $0x38;
	[tilespmem:$0x10200] =	vst v63  }
0x1c: {  	s12 =	sor.u32 $0x400, s13;
	_ =	swait.ge [sflag:s3], $0x10000  }
0x1d: {  	s11 =	sshrl.u32 s12, $0x3;
	[sflag:s3] =	ssyncset.done $0x0  }
0x1e: {  	s11 =	sadd.s32 s15, s11;
	[sflag:s3] =	ssyncadd.s32 $0xFFFF0000  }
0x1f: {  	[tilespmem:s2], [sflag:$0x2] =	stream.linear.gather [hbm4b:s11+s2], $0x200, $0x38;
	[tilespmem:$0x10200] =	vst v63  }
0x20: {  	_ =	swait.ge [sflag:s3], $0x200  }
0x21: {  	[sflag:s3] =	ssyncset.done $0x0  }
0x22: {  	[sflag:s3] =	ssyncadd.s32 $0xFFFFFE00  }
0x23: {  	[tilespmem:s6], [sflag:$0x1] =	stream.indirect.gather [hbm4b:s5+s6], $0x80, s2, s6, $0xb8;
	[tilespmem:$0x10200] =	vst v63  }
0x24: {  	_ =	swait.ge [sflag:s7], $0x10000  }
0x25: {  	s12 =	sshll.u32 s12, $0x4;
	[sflag:s7] =	ssyncset.done $0x0  }
0x26: {  	s12 =	sadd.s32 s16, s12;
	[sflag:s7] =	ssyncadd.s32 $0xFFFF0000  }
0x27: {  	[hbm4b:s12+s2] =	stream.linear.scatter [tilespmem:s6], [sflag:$0x2], $0x10000, $0x38;
	[tilespmem:$0x10200] =	vst v63  }
0x28: {  	s17 =	sor.u32 $0x600, s13;
	_ =	swait.ge [sflag:s3], $0x10000  }
0x29: {  	s13 =	sshrl.u32 s17, $0x3;
	[sflag:s3] =	ssyncset.done $0x0  }
0x2a: {  	s14 =	ssub.s32 $0x2, s14;
	s13 =	sadd.s32 s15, s13;
	[sflag:s3] =	ssyncadd.s32 $0xFFFF0000  }
0x2b: {  	[tilespmem:s2], [sflag:$0x2] =	stream.linear.gather [hbm4b:s13+s2], $0x200, $0x38;
	[tilespmem:$0x10200] =	vst v63  }
0x2c: {  	s30 =	sshrl.u32 s14, $0x1;
	_ =	swait.ge [sflag:s3], $0x200  }
0x2d: {  	s15 =	ssub.s32 s14, s30;
	[sflag:s3] =	ssyncset.done $0x0  }
0x2e: {  	s15 =	smax.u32 s15, $0x1;
	[sflag:s3] =	ssyncadd.s32 $0xFFFFFE00  }
0x2f: {  	[tilespmem:s6], [sflag:$0x1] =	stream.indirect.gather [hbm4b:s5+s6], $0x80, s2, s6, $0xb8;
	[tilespmem:$0x10200] =	vst v63  }
0x30: {  	p0 =	sne.s32 s15, $0x1;
	_ =	swait.ge [sflag:s7], $0x10000  }
.Ltmp0:
0x31: {  	s31 =	sshll.u32 s17, $0x4;
	[sflag:s7] =	ssyncset.done $0x0;
	(pc) =	sbr.rel @!p0 .LBB2_2-.Ltmp0, $4  }
0x32: {  	s14 =	sadd.s32 s16, s31;
	[sflag:s7] =	ssyncadd.s32 $0xFFFF0000  }
0x33: {  	[hbm4b:s14+s2] =	stream.linear.scatter [tilespmem:s6], [sflag:$0x2], $0x10000, $0x38;
	[tilespmem:$0x10200] =	vst v63  }
0x34: {  	_ =	swait.ge [sflag:s3], $0x10000  }
0x35: {  	s15 =	sadd.s32 $0xFFFFFFFF, s15;
	[sflag:s3] =	ssyncset.done $0x0  }
.LBB2_1:
0x36: {  	p0 =	sne.s32 s15, $0x1;
	s15 =	sadd.s32 $0xFFFFFFFF, s15;
	[sflag:s3] =	ssyncadd.s32 $0xFFFF0000  }
0x37: {  	[tilespmem:s2], [sflag:$0x2] =	stream.linear.gather [hbm4b:s4+s2], $0x200, $0x38;
	[tilespmem:$0x10200] =	vst v63  }
0x38: {  	_ =	swait.ge [sflag:s3], $0x200  }
0x39: {  	[sflag:s3] =	ssyncset.done $0x0  }
0x3a: {  	[sflag:s3] =	ssyncadd.s32 $0xFFFFFE00  }
0x3b: {  	[tilespmem:s6], [sflag:$0x1] =	stream.indirect.gather [hbm4b:s5+s6], $0x80, s2, s6, $0xb8;
	[tilespmem:$0x10200] =	vst v63  }
0x3c: {  	_ =	swait.ge [sflag:s7], $0x10000  }
0x3d: {  	[sflag:s7] =	ssyncset.done $0x0  }
0x3e: {  	[sflag:s7] =	ssyncadd.s32 $0xFFFF0000  }
0x3f: {  	[hbm4b:s8+s2] =	stream.linear.scatter [tilespmem:s6], [sflag:$0x2], $0x10000, $0x38;
	[tilespmem:$0x10200] =	vst v63  }
0x40: {  	_ =	swait.ge [sflag:s3], $0x10000  }
0x41: {  	[sflag:s3] =	ssyncset.done $0x0  }
0x42: {  	[sflag:s3] =	ssyncadd.s32 $0xFFFF0000  }
0x43: {  	[tilespmem:s2], [sflag:$0x2] =	stream.linear.gather [hbm4b:s9+s2], $0x200, $0x38;
	[tilespmem:$0x10200] =	vst v63  }
0x44: {  	_ =	swait.ge [sflag:s3], $0x200  }
0x45: {  	[sflag:s3] =	ssyncset.done $0x0  }
0x46: {  	[sflag:s3] =	ssyncadd.s32 $0xFFFFFE00  }
0x47: {  	[tilespmem:s6], [sflag:$0x1] =	stream.indirect.gather [hbm4b:s5+s6], $0x80, s2, s6, $0xb8;
	[tilespmem:$0x10200] =	vst v63  }
0x48: {  	_ =	swait.ge [sflag:s7], $0x10000  }
0x49: {  	[sflag:s7] =	ssyncset.done $0x0  }
0x4a: {  	[sflag:s7] =	ssyncadd.s32 $0xFFFF0000  }
0x4b: {  	[hbm4b:s10+s2] =	stream.linear.scatter [tilespmem:s6], [sflag:$0x2], $0x10000, $0x38;
	[tilespmem:$0x10200] =	vst v63  }
0x4c: {  	_ =	swait.ge [sflag:s3], $0x10000  }
0x4d: {  	[sflag:s3] =	ssyncset.done $0x0  }
0x4e: {  	[sflag:s3] =	ssyncadd.s32 $0xFFFF0000  }
0x4f: {  	[tilespmem:s2], [sflag:$0x2] =	stream.linear.gather [hbm4b:s11+s2], $0x200, $0x38;
	[tilespmem:$0x10200] =	vst v63  }
0x50: {  	_ =	swait.ge [sflag:s3], $0x200  }
0x51: {  	[sflag:s3] =	ssyncset.done $0x0  }
0x52: {  	[sflag:s3] =	ssyncadd.s32 $0xFFFFFE00  }
0x53: {  	[tilespmem:s6], [sflag:$0x1] =	stream.indirect.gather [hbm4b:s5+s6], $0x80, s2, s6, $0xb8;
	[tilespmem:$0x10200] =	vst v63  }
0x54: {  	_ =	swait.ge [sflag:s7], $0x10000  }
0x55: {  	[sflag:s7] =	ssyncset.done $0x0  }
0x56: {  	[sflag:s7] =	ssyncadd.s32 $0xFFFF0000  }
0x57: {  	[hbm4b:s12+s2] =	stream.linear.scatter [tilespmem:s6], [sflag:$0x2], $0x10000, $0x38;
	[tilespmem:$0x10200] =	vst v63  }
0x58: {  	_ =	swait.ge [sflag:s3], $0x10000  }
0x59: {  	[sflag:s3] =	ssyncset.done $0x0  }
0x5a: {  	[sflag:s3] =	ssyncadd.s32 $0xFFFF0000  }
0x5b: {  	[tilespmem:s2], [sflag:$0x2] =	stream.linear.gather [hbm4b:s13+s2], $0x200, $0x38;
	[tilespmem:$0x10200] =	vst v63  }
0x5c: {  	_ =	swait.ge [sflag:s3], $0x200  }
0x5d: {  	[sflag:s3] =	ssyncset.done $0x0  }
0x5e: {  	[sflag:s3] =	ssyncadd.s32 $0xFFFFFE00  }
0x5f: {  	[tilespmem:s6], [sflag:$0x1] =	stream.indirect.gather [hbm4b:s5+s6], $0x80, s2, s6, $0xb8;
	[tilespmem:$0x10200] =	vst v63  }
0x60: {  	_ =	swait.ge [sflag:s7], $0x10000  }
.Ltmp1:
0x61: {  	[sflag:s7] =	ssyncset.done $0x0;
	(pc) =	sbr.rel @p0 .LBB2_1-.Ltmp1, $4  }
0x62: {  	[sflag:s7] =	ssyncadd.s32 $0xFFFF0000  }
0x63: {  	[hbm4b:s14+s2] =	stream.linear.scatter [tilespmem:s6], [sflag:$0x2], $0x10000, $0x38;
	[tilespmem:$0x10200] =	vst v63  }
0x64: {  	_ =	swait.ge [sflag:s3], $0x10000  }
0x65: {  	[sflag:s3] =	ssyncset.done $0x0  }
.LBB2_2:
0x66: {  	[sflag:s3] =	ssyncadd.s32 $0xFFFF0000  }
0x67: {  	_ =	sfence.sel $0x180000  }
0x68: {  	[bflag:$0x0] =	sbarrier.arrive $0xFFFF  }
0x69: {  	p0 =	sne.s32 s0, $0x0;
	_ =	strace $0x90000047  }
0x6a: {  	s0 =	sadd.s32 @!p0 $0x100000, s1;
	[bflag:$0x2] =	sbarrier.arrive $0xFFFF  }
0x6b: {  	[sflag:s0] =	ssyncadd.tile.s32 @!p0 $0x1;
	_ =	shalt  }
.Lfunc_end2:
_tile_overlayer_lowered:
.L_overlay_start_2:
0x6c: {  	(tag) =	ssettag $0x2  }
0x6d: {  	s0 =	rddreg [dreg:$0x0];
	s2 =	stileid.u32  }
0x6e: {  	s1 =	rddreg [dreg:$0x1];
	p0 =	sne.s32 s2, $0x0  }
0x6f: {  	s3 =	rddreg [dreg:$0x2];
	[bflag:$0x3] =	sbarrier.arrive $0xFFFF;
	s2 =	simm.s32 @!p0 $0x1C02  }
0x70: {  	[timem:s3], [sflag:s2] =	dma.local @!p0 [hbm:s0], s1  }
0x71: {  	s0 =	simm.s32 @!p0 $0x2  }
0x72: {  	_ =	swait.ge @!p0 [sflag:s0], s1  }
0x73: {  	s1 =	ssub.s32 @!p0 $0x0, s1;
	[sflag:s0] =	ssyncset.done @!p0 $0x0  }
0x74: {  	[sflag:s0] =	ssyncadd.s32 @!p0 s1  }
0x75: {  	[bflag:$0x3] =	sbarrier.arrive $0xFFFF  }
0x76: {  	_ =	shalt  }

</sc_bundles>
